<compile_context>
chip_gen: v7x
topology: tpu7x:2x2x1
jax: 0.10.2.dev20260603
libtpu: 0.0.44.dev20260713+nightly
codegen_flags: <defaults>
</compile_context>

<pallas_src>
import functools

import jax
import jax.numpy as jnp
from jax import lax
from jax.experimental import pallas as pl
from jax.experimental.pallas import tpu as pltpu
from jax.experimental.pallas import tpu_sc as plsc

B = 4096
SEQ = 200
D = 128
VOCAB = 100000
CPAD = 16

CH0 = 104
CH1 = SEQ - CH0

NC, NS = 2, 16
NW = NC * NS
BPW = B // NW

_mesh = plsc.VectorSubcoreMesh(core_axis_name="c", subcore_axis_name="s")


@functools.partial(
    pl.kernel,
    out_type=jax.ShapeDtypeStruct((B, CPAD), jnp.float32),
    mesh=_mesh,
    scratch_types=[
        pltpu.VMEM((BPW, SEQ), jnp.int32),
        pltpu.VMEM((SEQ, CPAD), jnp.float32),
        pltpu.VMEM((SEQ, CPAD), jnp.float32),
        pltpu.VMEM((SEQ, CPAD), jnp.float32),
        pltpu.VMEM((BPW, CPAD), jnp.float32),
        pltpu.VMEM((CPAD,), jnp.float32),
        pltpu.SemaphoreType.DMA,
        pltpu.SemaphoreType.DMA,
        pltpu.SemaphoreType.DMA,
    ],
    compiler_params=pltpu.CompilerParams(
        use_tc_tiling_on_sc=False, needs_layout_passes=False
    ),
)
def _pool_sc(x_hbm, tw_hbm, bias_hbm, out_hbm, idx_v, buf0, buf1, buf2,
             out_v, bias_v, sem0, sem1, sem2):
    wid = lax.axis_index("s") * NC + lax.axis_index("c")
    base = wid * BPW

    bufs = (buf0, buf1, buf2)
    sems = (sem0, sem1, sem2)
    nbuf = len(bufs)

    def fire(b, slot):
        buf, sem = bufs[slot], sems[slot]
        pltpu.async_copy(
            tw_hbm.at[idx_v.at[b, pl.ds(0, CH0)]], buf.at[pl.ds(0, CH0)], sem
        )
        pltpu.async_copy(
            tw_hbm.at[idx_v.at[b, pl.ds(CH0, CH1)]], buf.at[pl.ds(CH0, CH1)], sem
        )

    def drain(slot):
        buf, sem = bufs[slot], sems[slot]
        pltpu.make_async_copy(tw_hbm.at[pl.ds(0, SEQ)], buf, sem).wait()

    def accumulate(b, slot, bias):
        buf = bufs[slot]
        zero = jnp.zeros((16,), jnp.float32)

        def body(i, acc):
            r = i * 4
            return tuple(
                acc[j] + buf[r + j, pl.ds(0, 16)] for j in range(4)
            )

        a0, a1, a2, a3 = lax.fori_loop(0, SEQ // 4, body, (zero,) * 4)
        total = (a0 + a1) + (a2 + a3)
        out_v[b, pl.ds(0, 16)] = total * jnp.float32(1.0 / SEQ) + bias

    pltpu.sync_copy(bias_hbm, bias_v)
    bias = bias_v[pl.ds(0, 16)]

    half = BPW // 2
    pltpu.sync_copy(x_hbm.at[pl.ds(base, half)], idx_v.at[pl.ds(0, half)])
    for s in range(nbuf):
        fire(s, s)
    pltpu.sync_copy(
        x_hbm.at[pl.ds(base + half, half)], idx_v.at[pl.ds(half, half)]
    )

    main_iters = BPW // nbuf - 1

    @pl.loop(0, main_iters)
    def _(g):
        b0 = g * nbuf
        for s in range(nbuf):
            drain(s)
            accumulate(b0 + s, s, bias)
            fire(b0 + s + nbuf, s)

    for b in range(main_iters * nbuf, BPW):
        s = b % nbuf
        drain(s)
        accumulate(b, s, bias)
        if b + nbuf < BPW:
            fire(b + nbuf, s)

    pltpu.sync_copy(out_v, out_hbm.at[pl.ds(base, BPW)])


VB = 10000


def _tw_body(t_ref, w_ref, o_ref):
    o_ref[...] = jnp.dot(
        t_ref[...], w_ref[...], preferred_element_type=jnp.float32
    )


_tw = pl.pallas_call(
    _tw_body,
    grid=(VOCAB // VB,),
    in_specs=[
        pl.BlockSpec((VB, D), lambda i: (i, 0)),
        pl.BlockSpec((D, CPAD), lambda i: (0, 0)),
    ],
    out_specs=pl.BlockSpec((VB, CPAD), lambda i: (i, 0)),
    out_shape=jax.ShapeDtypeStruct((VOCAB, CPAD), jnp.float32),
)


def kernel(x, table, W, b):
    wt = jnp.pad(W.T, ((0, 0), (0, CPAD - W.shape[0])))
    tw = _tw(table, wt)
    bp = jnp.pad(b, (0, CPAD - b.shape[0]))
    if x.dtype != jnp.int32:
        x = x.astype(jnp.int32)
    out = _pool_sc(x, tw, bp)
    return out[:, : W.shape[0]]

# --- scband reference (transcript-rebuilt; emitter-appended) ---
"""Pipeline reference for scband-avg-model-32478542692498 (READ-ONLY COPY).

The authoritative reference and input builder live on the scoring server;
editing this copy changes nothing except your own understanding.
"""

import jax, jax.numpy as jnp
import numpy as np

VOCAB = 100000
EMBED_DIM = 128
CLASS_NUM = 10
BATCH = 4096
SEQ = 200


def setup_inputs(seed: int = 0) -> dict:
    key = jax.random.key(seed)
    k1, k2, k3 = jax.random.split(key, 3)
    x = jax.random.randint(k1, (BATCH, SEQ), 0, VOCAB)
    table = jax.random.normal(k2, (VOCAB, EMBED_DIM), dtype=jnp.float32) * 0.02
    W = jax.random.normal(k3, (CLASS_NUM, EMBED_DIM), dtype=jnp.float32) * 0.02
    b = jnp.zeros((CLASS_NUM,), dtype=jnp.float32)
    return {"x": x, "table": table, "W": W, "b": b}


def reference(x, table, W, b):
    # embedding lookup: gather rows of table
    emb = jnp.take(table, x, axis=0)          # [B, L, D]
    # mean pooling over sequence dim (dropout is identity in eval mode)
    pooled = jnp.mean(emb, axis=1)             # [B, D]
    # linear classifier head
    out = pooled @ W.T + b                     # [B, C]
    return out

if __name__ == "__main__":
    import jax
    _d = setup_inputs()
    print(jax.jit(kernel)(*tuple(_d.values())))

</pallas_src>

<mosaic_0001>
#map = affine_map<(d0, d1) -> (0, 0)>
#map1 = affine_map<(d0, d1) -> (0)>
module attributes {stable_mosaic.version = 14 : i64} {
  func.func @_pool_sc(%arg0: i32, %arg1: i32, %arg2: memref<4096x200xi32, #tpu.memory_space<hbm>>, %arg3: memref<100000x16xf32, #tpu.memory_space<hbm>>, %arg4: memref<16xf32, #tpu.memory_space<hbm>>, %arg5: memref<4096x16xf32, #tpu.memory_space<hbm>>, %arg6: memref<128x200xi32, #tpu.memory_space<vmem>>, %arg7: memref<200x16xf32, #tpu.memory_space<vmem>>, %arg8: memref<200x16xf32, #tpu.memory_space<vmem>>, %arg9: memref<200x16xf32, #tpu.memory_space<vmem>>, %arg10: memref<128x16xf32, #tpu.memory_space<vmem>>, %arg11: memref<16xf32, #tpu.memory_space<vmem>>, %arg12: memref<!tpu.dma_semaphore, #tpu.memory_space<semaphore_mem>>, %arg13: memref<!tpu.dma_semaphore, #tpu.memory_space<semaphore_mem>>, %arg14: memref<!tpu.dma_semaphore, #tpu.memory_space<semaphore_mem>>) attributes {dimension_semantics = [#tpu.dimension_semantics<core_parallel>, #tpu.dimension_semantics<subcore_parallel>], iteration_bounds = array<i64: 2, 16>, scalar_prefetch = 0 : i64, scratch_operands = 9 : i64, tpu.core_type = #tpu.core_type<sc_vector_subcore>, window_params = [{transform_indices = #map}, {transform_indices = #map}, {transform_indices = #map1}, {transform_indices = #map}]} {
    %mul3A = arith.constant 2 : i32
    %mul3A_0 = arith.muli %arg1, %mul3A : i32
    %add3A = arith.addi %mul3A_0, %arg0 : i32
    %mul3A_1 = arith.constant 128 : i32
    %mul3A_2 = arith.muli %add3A, %mul3A_1 : i32
    "tpu.region"() ({
      %run_scoped3A = tpu.sem_alloc : memref<!tpu.dma_semaphore, #tpu.memory_space<semaphore_mem>>
      tpu.enqueue_dma source(%arg4 : memref<16xf32, #tpu.memory_space<hbm>>) target(%arg11 : memref<16xf32, #tpu.memory_space<vmem>>) target_semaphore(%run_scoped3A : memref<!tpu.dma_semaphore, #tpu.memory_space<semaphore_mem>>)
      tpu.wait_dma2 semaphore(%run_scoped3A : memref<!tpu.dma_semaphore, #tpu.memory_space<semaphore_mem>>) src(%arg4 : memref<16xf32, #tpu.memory_space<hbm>>) dst(%arg11 : memref<16xf32, #tpu.memory_space<vmem>>)
      tpu.yield
    }) : () -> ()
    %get3A = arith.constant 0 : index
    %get3A_3 = tpu.vector_load %arg11[%get3A] {strides = array<i32>} : memref<16xf32, #tpu.memory_space<vmem>>, vector<16xf32>,
    "tpu.region"() ({
      %run_scoped3A = tpu.sem_alloc : memref<!tpu.dma_semaphore, #tpu.memory_space<semaphore_mem>>
      %dma_start3A_231 = arith.constant 0 : i32
      %dma_start3A_232 = arith.constant 0 : i32
      %dma_start3A_233 = tpu.memref_slice %arg6[%dma_start3A_231, %dma_start3A_232] : memref<128x200xi32, #tpu.memory_space<vmem>> -> memref<64x200xi32, #tpu.memory_space<vmem>>
      %dma_start3A_234 = arith.constant 0 : i32
      %dma_start3A_235 = tpu.memref_slice %arg2[%mul3A_2, %dma_start3A_234] : memref<4096x200xi32, #tpu.memory_space<hbm>> -> memref<64x200xi32, #tpu.memory_space<hbm>>
      %dma_start3A_236 = arith.constant 0 : i32
      %dma_start3A_237 = arith.constant 0 : i32
      %dma_start3A_238 = tpu.memref_slice %arg6[%dma_start3A_236, %dma_start3A_237] : memref<128x200xi32, #tpu.memory_space<vmem>> -> memref<64x200xi32, #tpu.memory_space<vmem>>
      %dma_start3A_239 = arith.constant 0 : i32
      %dma_start3A_240 = tpu.memref_slice %arg2[%mul3A_2, %dma_start3A_239] : memref<4096x200xi32, #tpu.memory_space<hbm>> -> memref<64x200xi32, #tpu.memory_space<hbm>>
      tpu.enqueue_dma source(%dma_start3A_240 : memref<64x200xi32, #tpu.memory_space<hbm>>) target(%dma_start3A_238 : memref<64x200xi32, #tpu.memory_space<vmem>>) target_semaphore(%run_scoped3A : memref<!tpu.dma_semaphore, #tpu.memory_space<semaphore_mem>>)
      %dma_wait3A_241 = arith.constant 0 : i32
      %dma_wait3A_242 = arith.constant 0 : i32
      %dma_wait3A_243 = tpu.memref_slice %arg6[%dma_wait3A_241, %dma_wait3A_242] : memref<128x200xi32, #tpu.memory_space<vmem>> -> memref<64x200xi32, #tpu.memory_space<vmem>>
      %dma_wait3A_244 = arith.constant 0 : i32
      %dma_wait3A_245 = tpu.memref_slice %arg2[%mul3A_2, %dma_wait3A_244] : memref<4096x200xi32, #tpu.memory_space<hbm>> -> memref<64x200xi32, #tpu.memory_space<hbm>>
      %dma_wait3A_246 = arith.constant 0 : i32
      %dma_wait3A_247 = arith.constant 0 : i32
      %dma_wait3A_248 = tpu.memref_slice %arg6[%dma_wait3A_246, %dma_wait3A_247] : memref<128x200xi32, #tpu.memory_space<vmem>> -> memref<64x200xi32, #tpu.memory_space<vmem>>
      %dma_wait3A_249 = arith.constant 0 : i32
      %dma_wait3A_250 = tpu.memref_slice %arg2[%mul3A_2, %dma_wait3A_249] : memref<4096x200xi32, #tpu.memory_space<hbm>> -> memref<64x200xi32, #tpu.memory_space<hbm>>
      tpu.wait_dma2 semaphore(%run_scoped3A : memref<!tpu.dma_semaphore, #tpu.memory_space<semaphore_mem>>) src(%dma_wait3A_250 : memref<64x200xi32, #tpu.memory_space<hbm>>) dst(%dma_wait3A_248 : memref<64x200xi32, #tpu.memory_space<vmem>>)
      tpu.yield
    }) : () -> ()
    %dma_start3A = arith.constant 0 : i32
    %dma_start3A_4 = arith.constant 0 : i32
    %dma_start3A_5 = arith.constant 0 : i32
    %dma_start3A_6 = tpu.memref_slice %arg7[%dma_start3A_4, %dma_start3A_5] : memref<200x16xf32, #tpu.memory_space<vmem>> -> memref<104x16xf32, #tpu.memory_space<vmem>>
    %dma_start3A_7 = arith.constant 0 : i32
    %dma_start3A_8 = tpu.memref_slice %arg6[%dma_start3A, %dma_start3A_7] : memref<128x200xi32, #tpu.memory_space<vmem>> -> memref<1x104xi32, #tpu.memory_space<vmem>>
    %dma_start3A_9 = tpu.memref_squeeze %dma_start3A_8 : memref<1x104xi32, #tpu.memory_space<vmem>> -> memref<104xi32, #tpu.memory_space<vmem>>
    %dma_start3A_10 = arith.constant 0 : i32
    %dma_start3A_11 = arith.constant 0 : i32
    %dma_start3A_12 = tpu.memref_slice %arg3[%dma_start3A_10, %dma_start3A_11] : memref<100000x16xf32, #tpu.memory_space<hbm>> -> memref<100000x16xf32, #tpu.memory_space<hbm>>
    tpu.enqueue_indirect_dma source(%dma_start3A_12 : memref<100000x16xf32, #tpu.memory_space<hbm>>) target(%dma_start3A_6 : memref<104x16xf32, #tpu.memory_space<vmem>>) offsets(%dma_start3A_9 : memref<104xi32, #tpu.memory_space<vmem>>) semaphore(%arg12 : memref<!tpu.dma_semaphore, #tpu.memory_space<semaphore_mem>>)
    %dma_start3A_13 = arith.constant 0 : i32
    %dma_start3A_14 = arith.constant 104 : i32
    %dma_start3A_15 = arith.constant 0 : i32
    %dma_start3A_16 = tpu.memref_slice %arg7[%dma_start3A_14, %dma_start3A_15] : memref<200x16xf32, #tpu.memory_space<vmem>> -> memref<96x16xf32, #tpu.memory_space<vmem>>
    %dma_start3A_17 = arith.constant 104 : i32
    %dma_start3A_18 = tpu.memref_slice %arg6[%dma_start3A_13, %dma_start3A_17] : memref<128x200xi32, #tpu.memory_space<vmem>> -> memref<1x96xi32, #tpu.memory_space<vmem>>
    %dma_start3A_19 = tpu.memref_squeeze %dma_start3A_18 : memref<1x96xi32, #tpu.memory_space<vmem>> -> memref<96xi32, #tpu.memory_space<vmem>>
    %dma_start3A_20 = arith.constant 0 : i32
    %dma_start3A_21 = arith.constant 0 : i32
    %dma_start3A_22 = tpu.memref_slice %arg3[%dma_start3A_20, %dma_start3A_21] : memref<100000x16xf32, #tpu.memory_space<hbm>> -> memref<100000x16xf32, #tpu.memory_space<hbm>>
    tpu.enqueue_indirect_dma source(%dma_start3A_22 : memref<100000x16xf32, #tpu.memory_space<hbm>>) target(%dma_start3A_16 : memref<96x16xf32, #tpu.memory_space<vmem>>) offsets(%dma_start3A_19 : memref<96xi32, #tpu.memory_space<vmem>>) semaphore(%arg12 : memref<!tpu.dma_semaphore, #tpu.memory_space<semaphore_mem>>)
    %dma_start3A_23 = arith.constant 1 : i32
    %dma_start3A_24 = arith.constant 0 : i32
    %dma_start3A_25 = arith.constant 0 : i32
    %dma_start3A_26 = tpu.memref_slice %arg8[%dma_start3A_24, %dma_start3A_25] : memref<200x16xf32, #tpu.memory_space<vmem>> -> memref<104x16xf32, #tpu.memory_space<vmem>>
    %dma_start3A_27 = arith.constant 0 : i32
    %dma_start3A_28 = tpu.memref_slice %arg6[%dma_start3A_23, %dma_start3A_27] : memref<128x200xi32, #tpu.memory_space<vmem>> -> memref<1x104xi32, #tpu.memory_space<vmem>>
    %dma_start3A_29 = tpu.memref_squeeze %dma_start3A_28 : memref<1x104xi32, #tpu.memory_space<vmem>> -> memref<104xi32, #tpu.memory_space<vmem>>
    %dma_start3A_30 = arith.constant 0 : i32
    %dma_start3A_31 = arith.constant 0 : i32
    %dma_start3A_32 = tpu.memref_slice %arg3[%dma_start3A_30, %dma_start3A_31] : memref<100000x16xf32, #tpu.memory_space<hbm>> -> memref<100000x16xf32, #tpu.memory_space<hbm>>
    tpu.enqueue_indirect_dma source(%dma_start3A_32 : memref<100000x16xf32, #tpu.memory_space<hbm>>) target(%dma_start3A_26 : memref<104x16xf32, #tpu.memory_space<vmem>>) offsets(%dma_start3A_29 : memref<104xi32, #tpu.memory_space<vmem>>) semaphore(%arg13 : memref<!tpu.dma_semaphore, #tpu.memory_space<semaphore_mem>>)
    %dma_start3A_33 = arith.constant 1 : i32
    %dma_start3A_34 = arith.constant 104 : i32
    %dma_start3A_35 = arith.constant 0 : i32
    %dma_start3A_36 = tpu.memref_slice %arg8[%dma_start3A_34, %dma_start3A_35] : memref<200x16xf32, #tpu.memory_space<vmem>> -> memref<96x16xf32, #tpu.memory_space<vmem>>
    %dma_start3A_37 = arith.constant 104 : i32
    %dma_start3A_38 = tpu.memref_slice %arg6[%dma_start3A_33, %dma_start3A_37] : memref<128x200xi32, #tpu.memory_space<vmem>> -> memref<1x96xi32, #tpu.memory_space<vmem>>
    %dma_start3A_39 = tpu.memref_squeeze %dma_start3A_38 : memref<1x96xi32, #tpu.memory_space<vmem>> -> memref<96xi32, #tpu.memory_space<vmem>>
    %dma_start3A_40 = arith.constant 0 : i32
    %dma_start3A_41 = arith.constant 0 : i32
    %dma_start3A_42 = tpu.memref_slice %arg3[%dma_start3A_40, %dma_start3A_41] : memref<100000x16xf32, #tpu.memory_space<hbm>> -> memref<100000x16xf32, #tpu.memory_space<hbm>>
    tpu.enqueue_indirect_dma source(%dma_start3A_42 : memref<100000x16xf32, #tpu.memory_space<hbm>>) target(%dma_start3A_36 : memref<96x16xf32, #tpu.memory_space<vmem>>) offsets(%dma_start3A_39 : memref<96xi32, #tpu.memory_space<vmem>>) semaphore(%arg13 : memref<!tpu.dma_semaphore, #tpu.memory_space<semaphore_mem>>)
    %dma_start3A_43 = arith.constant 2 : i32
    %dma_start3A_44 = arith.constant 0 : i32
    %dma_start3A_45 = arith.constant 0 : i32
    %dma_start3A_46 = tpu.memref_slice %arg9[%dma_start3A_44, %dma_start3A_45] : memref<200x16xf32, #tpu.memory_space<vmem>> -> memref<104x16xf32, #tpu.memory_space<vmem>>
    %dma_start3A_47 = arith.constant 0 : i32
    %dma_start3A_48 = tpu.memref_slice %arg6[%dma_start3A_43, %dma_start3A_47] : memref<128x200xi32, #tpu.memory_space<vmem>> -> memref<1x104xi32, #tpu.memory_space<vmem>>
    %dma_start3A_49 = tpu.memref_squeeze %dma_start3A_48 : memref<1x104xi32, #tpu.memory_space<vmem>> -> memref<104xi32, #tpu.memory_space<vmem>>
    %dma_start3A_50 = arith.constant 0 : i32
    %dma_start3A_51 = arith.constant 0 : i32
    %dma_start3A_52 = tpu.memref_slice %arg3[%dma_start3A_50, %dma_start3A_51] : memref<100000x16xf32, #tpu.memory_space<hbm>> -> memref<100000x16xf32, #tpu.memory_space<hbm>>
    tpu.enqueue_indirect_dma source(%dma_start3A_52 : memref<100000x16xf32, #tpu.memory_space<hbm>>) target(%dma_start3A_46 : memref<104x16xf32, #tpu.memory_space<vmem>>) offsets(%dma_start3A_49 : memref<104xi32, #tpu.memory_space<vmem>>) semaphore(%arg14 : memref<!tpu.dma_semaphore, #tpu.memory_space<semaphore_mem>>)
    %dma_start3A_53 = arith.constant 2 : i32
    %dma_start3A_54 = arith.constant 104 : i32
    %dma_start3A_55 = arith.constant 0 : i32
    %dma_start3A_56 = tpu.memref_slice %arg9[%dma_start3A_54, %dma_start3A_55] : memref<200x16xf32, #tpu.memory_space<vmem>> -> memref<96x16xf32, #tpu.memory_space<vmem>>
    %dma_start3A_57 = arith.constant 104 : i32
    %dma_start3A_58 = tpu.memref_slice %arg6[%dma_start3A_53, %dma_start3A_57] : memref<128x200xi32, #tpu.memory_space<vmem>> -> memref<1x96xi32, #tpu.memory_space<vmem>>
    %dma_start3A_59 = tpu.memref_squeeze %dma_start3A_58 : memref<1x96xi32, #tpu.memory_space<vmem>> -> memref<96xi32, #tpu.memory_space<vmem>>
    %dma_start3A_60 = arith.constant 0 : i32
    %dma_start3A_61 = arith.constant 0 : i32
    %dma_start3A_62 = tpu.memref_slice %arg3[%dma_start3A_60, %dma_start3A_61] : memref<100000x16xf32, #tpu.memory_space<hbm>> -> memref<100000x16xf32, #tpu.memory_space<hbm>>
    tpu.enqueue_indirect_dma source(%dma_start3A_62 : memref<100000x16xf32, #tpu.memory_space<hbm>>) target(%dma_start3A_56 : memref<96x16xf32, #tpu.memory_space<vmem>>) offsets(%dma_start3A_59 : memref<96xi32, #tpu.memory_space<vmem>>) semaphore(%arg14 : memref<!tpu.dma_semaphore, #tpu.memory_space<semaphore_mem>>)
    %add3A_63 = arith.constant 64 : i32
    %add3A_64 = arith.addi %mul3A_2, %add3A_63 : i32
    "tpu.region"() ({
      %run_scoped3A = tpu.sem_alloc : memref<!tpu.dma_semaphore, #tpu.memory_space<semaphore_mem>>
      %dma_start3A_231 = arith.constant 64 : i32
      %dma_start3A_232 = arith.constant 0 : i32
      %dma_start3A_233 = tpu.memref_slice %arg6[%dma_start3A_231, %dma_start3A_232] : memref<128x200xi32, #tpu.memory_space<vmem>> -> memref<64x200xi32, #tpu.memory_space<vmem>>
      %dma_start3A_234 = arith.constant 0 : i32
      %dma_start3A_235 = tpu.memref_slice %arg2[%add3A_64, %dma_start3A_234] : memref<4096x200xi32, #tpu.memory_space<hbm>> -> memref<64x200xi32, #tpu.memory_space<hbm>>
      %dma_start3A_236 = arith.constant 64 : i32
      %dma_start3A_237 = arith.constant 0 : i32
      %dma_start3A_238 = tpu.memref_slice %arg6[%dma_start3A_236, %dma_start3A_237] : memref<128x200xi32, #tpu.memory_space<vmem>> -> memref<64x200xi32, #tpu.memory_space<vmem>>
      %dma_start3A_239 = arith.constant 0 : i32
      %dma_start3A_240 = tpu.memref_slice %arg2[%add3A_64, %dma_start3A_239] : memref<4096x200xi32, #tpu.memory_space<hbm>> -> memref<64x200xi32, #tpu.memory_space<hbm>>
      tpu.enqueue_dma source(%dma_start3A_240 : memref<64x200xi32, #tpu.memory_space<hbm>>) target(%dma_start3A_238 : memref<64x200xi32, #tpu.memory_space<vmem>>) target_semaphore(%run_scoped3A : memref<!tpu.dma_semaphore, #tpu.memory_space<semaphore_mem>>)
      %dma_wait3A_241 = arith.constant 64 : i32
      %dma_wait3A_242 = arith.constant 0 : i32
      %dma_wait3A_243 = tpu.memref_slice %arg6[%dma_wait3A_241, %dma_wait3A_242] : memref<128x200xi32, #tpu.memory_space<vmem>> -> memref<64x200xi32, #tpu.memory_space<vmem>>
      %dma_wait3A_244 = arith.constant 0 : i32
      %dma_wait3A_245 = tpu.memref_slice %arg2[%add3A_64, %dma_wait3A_244] : memref<4096x200xi32, #tpu.memory_space<hbm>> -> memref<64x200xi32, #tpu.memory_space<hbm>>
      %dma_wait3A_246 = arith.constant 64 : i32
      %dma_wait3A_247 = arith.constant 0 : i32
      %dma_wait3A_248 = tpu.memref_slice %arg6[%dma_wait3A_246, %dma_wait3A_247] : memref<128x200xi32, #tpu.memory_space<vmem>> -> memref<64x200xi32, #tpu.memory_space<vmem>>
      %dma_wait3A_249 = arith.constant 0 : i32
      %dma_wait3A_250 = tpu.memref_slice %arg2[%add3A_64, %dma_wait3A_249] : memref<4096x200xi32, #tpu.memory_space<hbm>> -> memref<64x200xi32, #tpu.memory_space<hbm>>
      tpu.wait_dma2 semaphore(%run_scoped3A : memref<!tpu.dma_semaphore, #tpu.memory_space<semaphore_mem>>) src(%dma_wait3A_250 : memref<64x200xi32, #tpu.memory_space<hbm>>) dst(%dma_wait3A_248 : memref<64x200xi32, #tpu.memory_space<vmem>>)
      tpu.yield
    }) : () -> ()
    %scan3A = arith.constant 0 : i32
    %scan3A_65 = arith.constant 41 : i32
    %scan3A_66 = arith.addi %scan3A, %scan3A_65 : i32
    %scan3A_67 = arith.constant 1 : i32
    scf.for %scan3A_231 = %scan3A to %scan3A_66 step %scan3A_67  : i32 {
      %mul3A_232 = arith.constant 1 : i32
      %mul3A_233 = arith.muli %scan3A_231, %mul3A_232 : i32
      %add3A_234 = arith.constant 0 : i32
      %add3A_235 = arith.addi %add3A_234, %mul3A_233 : i32
      %mul3A_236 = arith.constant 3 : i32
      %mul3A_237 = arith.muli %add3A_235, %mul3A_236 : i32
      %dma_wait3A_238 = arith.constant 0 : i32
      %dma_wait3A_239 = arith.constant 0 : i32
      %dma_wait3A_240 = tpu.memref_slice %arg3[%dma_wait3A_238, %dma_wait3A_239] : memref<100000x16xf32, #tpu.memory_space<hbm>> -> memref<200x16xf32, #tpu.memory_space<hbm>>
      %dma_wait3A_241 = arith.constant 0 : i32
      %dma_wait3A_242 = arith.constant 0 : i32
      %dma_wait3A_243 = tpu.memref_slice %arg3[%dma_wait3A_241, %dma_wait3A_242] : memref<100000x16xf32, #tpu.memory_space<hbm>> -> memref<200x16xf32, #tpu.memory_space<hbm>>
      tpu.wait_dma2 semaphore(%arg12 : memref<!tpu.dma_semaphore, #tpu.memory_space<semaphore_mem>>) src(%dma_wait3A_243 : memref<200x16xf32, #tpu.memory_space<hbm>>) dst(%arg7 : memref<200x16xf32, #tpu.memory_space<vmem>>)
      %add3A_244 = arith.constant 0 : i32
      %add3A_245 = arith.addi %mul3A_237, %add3A_244 : i32
      %broadcast_in_dim3A_246 = arith.constant 0.000000e+00 : f32
      %broadcast_in_dim3A_247 = vector.broadcast %broadcast_in_dim3A_246 : f32 to vector<16xf32>
      %scan3A_248 = arith.constant 0 : i32
      %scan3A_249 = arith.constant 50 : i32
      %scan3A_250 = arith.addi %scan3A_248, %scan3A_249 : i32
      %scan3A_251 = arith.constant 1 : i32
      %scan3A_252:4 = scf.for %scan3A_382 = %scan3A_248 to %scan3A_250 step %scan3A_251 iter_args(%scan3A_383 = %broadcast_in_dim3A_247, %scan3A_384 = %broadcast_in_dim3A_247, %scan3A_385 = %broadcast_in_dim3A_247, %scan3A_386 = %broadcast_in_dim3A_247) -> (vector<16xf32>, vector<16xf32>, vector<16xf32>, vector<16xf32>)  : i32 {
        %mul3A_387 = arith.constant 4 : i32
        %mul3A_388 = arith.muli %scan3A_382, %mul3A_387 : i32
        %add3A_389 = arith.constant 0 : i32
        %add3A_390 = arith.addi %mul3A_388, %add3A_389 : i32
        %get3A_391 = arith.index_cast %add3A_390 : i32 to index
        %get3A_392 = arith.constant 0 : index
        %get3A_393 = tpu.vector_load %arg7[%get3A_391, %get3A_392] {strides = array<i32>} : memref<200x16xf32, #tpu.memory_space<vmem>>, vector<16xf32>,
        %add3A_394 = arith.addf %scan3A_383, %get3A_393 : vector<16xf32>
        %add3A_395 = arith.constant 1 : i32
        %add3A_396 = arith.addi %mul3A_388, %add3A_395 : i32
        %get3A_397 = arith.index_cast %add3A_396 : i32 to index
        %get3A_398 = arith.constant 0 : index
        %get3A_399 = tpu.vector_load %arg7[%get3A_397, %get3A_398] {strides = array<i32>} : memref<200x16xf32, #tpu.memory_space<vmem>>, vector<16xf32>,
        %add3A_400 = arith.addf %scan3A_384, %get3A_399 : vector<16xf32>
        %add3A_401 = arith.constant 2 : i32
        %add3A_402 = arith.addi %mul3A_388, %add3A_401 : i32
        %get3A_403 = arith.index_cast %add3A_402 : i32 to index
        %get3A_404 = arith.constant 0 : index
        %get3A_405 = tpu.vector_load %arg7[%get3A_403, %get3A_404] {strides = array<i32>} : memref<200x16xf32, #tpu.memory_space<vmem>>, vector<16xf32>,
        %add3A_406 = arith.addf %scan3A_385, %get3A_405 : vector<16xf32>
        %add3A_407 = arith.constant 3 : i32
        %add3A_408 = arith.addi %mul3A_388, %add3A_407 : i32
        %get3A_409 = arith.index_cast %add3A_408 : i32 to index
        %get3A_410 = arith.constant 0 : index
        %get3A_411 = tpu.vector_load %arg7[%get3A_409, %get3A_410] {strides = array<i32>} : memref<200x16xf32, #tpu.memory_space<vmem>>, vector<16xf32>,
        %add3A_412 = arith.addf %scan3A_386, %get3A_411 : vector<16xf32>
        scf.yield %add3A_394, %add3A_400, %add3A_406, %add3A_412 : vector<16xf32>, vector<16xf32>, vector<16xf32>, vector<16xf32>
      }
      %scan3A_253 = arith.constant 50 : i32
      %add3A_254 = arith.addf %scan3A_252#0, %scan3A_252#1 : vector<16xf32>
      %add3A_255 = arith.addf %scan3A_252#2, %scan3A_252#3 : vector<16xf32>
      %add3A_256 = arith.addf %add3A_254, %add3A_255 : vector<16xf32>
      %mul3A_257 = arith.constant 5.000000e-03 : f32
      %mul3A_258 = vector.broadcast %mul3A_257 : f32 to vector<16xf32>
      %mul3A_259 = arith.mulf %add3A_256, %mul3A_258 : vector<16xf32>
      %add3A_260 = arith.addf %mul3A_259, %get3A_3 : vector<16xf32>
      %swap3A_261 = arith.index_cast %add3A_245 : i32 to index
      %swap3A_262 = arith.constant 0 : index
      %swap3A_263 = tpu.vector_load %arg10[%swap3A_261, %swap3A_262] {strides = array<i32>} : memref<128x16xf32, #tpu.memory_space<vmem>>, vector<16xf32>,
      tpu.vector_store %arg10[%swap3A_261, %swap3A_262], %add3A_260 {strides = array<i32>} : memref<128x16xf32, #tpu.memory_space<vmem>>, vector<16xf32>,
      %add3A_264 = arith.constant 0 : i32
      %add3A_265 = arith.addi %mul3A_237, %add3A_264 : i32
      %add3A_266 = arith.constant 3 : i32
      %add3A_267 = arith.addi %add3A_265, %add3A_266 : i32
      %dma_start3A_268 = arith.constant 0 : i32
      %dma_start3A_269 = arith.constant 0 : i32
      %dma_start3A_270 = tpu.memref_slice %arg7[%dma_start3A_268, %dma_start3A_269] : memref<200x16xf32, #tpu.memory_space<vmem>> -> memref<104x16xf32, #tpu.memory_space<vmem>>
      %dma_start3A_271 = arith.constant 0 : i32
      %dma_start3A_272 = tpu.memref_slice %arg6[%add3A_267, %dma_start3A_271] : memref<128x200xi32, #tpu.memory_space<vmem>> -> memref<1x104xi32, #tpu.memory_space<vmem>>
      %dma_start3A_273 = tpu.memref_squeeze %dma_start3A_272 : memref<1x104xi32, #tpu.memory_space<vmem>> -> memref<104xi32, #tpu.memory_space<vmem>>
      %dma_start3A_274 = arith.constant 0 : i32
      %dma_start3A_275 = arith.constant 0 : i32
      %dma_start3A_276 = tpu.memref_slice %arg3[%dma_start3A_274, %dma_start3A_275] : memref<100000x16xf32, #tpu.memory_space<hbm>> -> memref<100000x16xf32, #tpu.memory_space<hbm>>
      tpu.enqueue_indirect_dma source(%dma_start3A_276 : memref<100000x16xf32, #tpu.memory_space<hbm>>) target(%dma_start3A_270 : memref<104x16xf32, #tpu.memory_space<vmem>>) offsets(%dma_start3A_273 : memref<104xi32, #tpu.memory_space<vmem>>) semaphore(%arg12 : memref<!tpu.dma_semaphore, #tpu.memory_space<semaphore_mem>>)
      %dma_start3A_277 = arith.constant 104 : i32
      %dma_start3A_278 = arith.constant 0 : i32
      %dma_start3A_279 = tpu.memref_slice %arg7[%dma_start3A_277, %dma_start3A_278] : memref<200x16xf32, #tpu.memory_space<vmem>> -> memref<96x16xf32, #tpu.memory_space<vmem>>
      %dma_start3A_280 = arith.constant 104 : i32
      %dma_start3A_281 = tpu.memref_slice %arg6[%add3A_267, %dma_start3A_280] : memref<128x200xi32, #tpu.memory_space<vmem>> -> memref<1x96xi32, #tpu.memory_space<vmem>>
      %dma_start3A_282 = tpu.memref_squeeze %dma_start3A_281 : memref<1x96xi32, #tpu.memory_space<vmem>> -> memref<96xi32, #tpu.memory_space<vmem>>
      %dma_start3A_283 = arith.constant 0 : i32
      %dma_start3A_284 = arith.constant 0 : i32
      %dma_start3A_285 = tpu.memref_slice %arg3[%dma_start3A_283, %dma_start3A_284] : memref<100000x16xf32, #tpu.memory_space<hbm>> -> memref<100000x16xf32, #tpu.memory_space<hbm>>
      tpu.enqueue_indirect_dma source(%dma_start3A_285 : memref<100000x16xf32, #tpu.memory_space<hbm>>) target(%dma_start3A_279 : memref<96x16xf32, #tpu.memory_space<vmem>>) offsets(%dma_start3A_282 : memref<96xi32, #tpu.memory_space<vmem>>) semaphore(%arg12 : memref<!tpu.dma_semaphore, #tpu.memory_space<semaphore_mem>>)
      %dma_wait3A_286 = arith.constant 0 : i32
      %dma_wait3A_287 = arith.constant 0 : i32
      %dma_wait3A_288 = tpu.memref_slice %arg3[%dma_wait3A_286, %dma_wait3A_287] : memref<100000x16xf32, #tpu.memory_space<hbm>> -> memref<200x16xf32, #tpu.memory_space<hbm>>
      %dma_wait3A_289 = arith.constant 0 : i32
      %dma_wait3A_290 = arith.constant 0 : i32
      %dma_wait3A_291 = tpu.memref_slice %arg3[%dma_wait3A_289, %dma_wait3A_290] : memref<100000x16xf32, #tpu.memory_space<hbm>> -> memref<200x16xf32, #tpu.memory_space<hbm>>
      tpu.wait_dma2 semaphore(%arg13 : memref<!tpu.dma_semaphore, #tpu.memory_space<semaphore_mem>>) src(%dma_wait3A_291 : memref<200x16xf32, #tpu.memory_space<hbm>>) dst(%arg8 : memref<200x16xf32, #tpu.memory_space<vmem>>)
      %add3A_292 = arith.constant 1 : i32
      %add3A_293 = arith.addi %mul3A_237, %add3A_292 : i32
      %broadcast_in_dim3A_294 = arith.constant 0.000000e+00 : f32
      %broadcast_in_dim3A_295 = vector.broadcast %broadcast_in_dim3A_294 : f32 to vector<16xf32>
      %scan3A_296 = arith.constant 0 : i32
      %scan3A_297 = arith.constant 50 : i32
      %scan3A_298 = arith.addi %scan3A_296, %scan3A_297 : i32
      %scan3A_299 = arith.constant 1 : i32
      %scan3A_300:4 = scf.for %scan3A_382 = %scan3A_296 to %scan3A_298 step %scan3A_299 iter_args(%scan3A_383 = %broadcast_in_dim3A_295, %scan3A_384 = %broadcast_in_dim3A_295, %scan3A_385 = %broadcast_in_dim3A_295, %scan3A_386 = %broadcast_in_dim3A_295) -> (vector<16xf32>, vector<16xf32>, vector<16xf32>, vector<16xf32>)  : i32 {
        %mul3A_387 = arith.constant 4 : i32
        %mul3A_388 = arith.muli %scan3A_382, %mul3A_387 : i32
        %add3A_389 = arith.constant 0 : i32
        %add3A_390 = arith.addi %mul3A_388, %add3A_389 : i32
        %get3A_391 = arith.index_cast %add3A_390 : i32 to index
        %get3A_392 = arith.constant 0 : index
        %get3A_393 = tpu.vector_load %arg8[%get3A_391, %get3A_392] {strides = array<i32>} : memref<200x16xf32, #tpu.memory_space<vmem>>, vector<16xf32>,
        %add3A_394 = arith.addf %scan3A_383, %get3A_393 : vector<16xf32>
        %add3A_395 = arith.constant 1 : i32
        %add3A_396 = arith.addi %mul3A_388, %add3A_395 : i32
        %get3A_397 = arith.index_cast %add3A_396 : i32 to index
        %get3A_398 = arith.constant 0 : index
        %get3A_399 = tpu.vector_load %arg8[%get3A_397, %get3A_398] {strides = array<i32>} : memref<200x16xf32, #tpu.memory_space<vmem>>, vector<16xf32>,
        %add3A_400 = arith.addf %scan3A_384, %get3A_399 : vector<16xf32>
        %add3A_401 = arith.constant 2 : i32
        %add3A_402 = arith.addi %mul3A_388, %add3A_401 : i32
        %get3A_403 = arith.index_cast %add3A_402 : i32 to index
        %get3A_404 = arith.constant 0 : index
        %get3A_405 = tpu.vector_load %arg8[%get3A_403, %get3A_404] {strides = array<i32>} : memref<200x16xf32, #tpu.memory_space<vmem>>, vector<16xf32>,
        %add3A_406 = arith.addf %scan3A_385, %get3A_405 : vector<16xf32>
        %add3A_407 = arith.constant 3 : i32
        %add3A_408 = arith.addi %mul3A_388, %add3A_407 : i32
        %get3A_409 = arith.index_cast %add3A_408 : i32 to index
        %get3A_410 = arith.constant 0 : index
        %get3A_411 = tpu.vector_load %arg8[%get3A_409, %get3A_410] {strides = array<i32>} : memref<200x16xf32, #tpu.memory_space<vmem>>, vector<16xf32>,
        %add3A_412 = arith.addf %scan3A_386, %get3A_411 : vector<16xf32>
        scf.yield %add3A_394, %add3A_400, %add3A_406, %add3A_412 : vector<16xf32>, vector<16xf32>, vector<16xf32>, vector<16xf32>
      }
      %scan3A_301 = arith.constant 50 : i32
      %add3A_302 = arith.addf %scan3A_300#0, %scan3A_300#1 : vector<16xf32>
      %add3A_303 = arith.addf %scan3A_300#2, %scan3A_300#3 : vector<16xf32>
      %add3A_304 = arith.addf %add3A_302, %add3A_303 : vector<16xf32>
      %mul3A_305 = arith.constant 5.000000e-03 : f32
      %mul3A_306 = vector.broadcast %mul3A_305 : f32 to vector<16xf32>
      %mul3A_307 = arith.mulf %add3A_304, %mul3A_306 : vector<16xf32>
      %add3A_308 = arith.addf %mul3A_307, %get3A_3 : vector<16xf32>
      %swap3A_309 = arith.index_cast %add3A_293 : i32 to index
      %swap3A_310 = arith.constant 0 : index
      %swap3A_311 = tpu.vector_load %arg10[%swap3A_309, %swap3A_310] {strides = array<i32>} : memref<128x16xf32, #tpu.memory_space<vmem>>, vector<16xf32>,
      tpu.vector_store %arg10[%swap3A_309, %swap3A_310], %add3A_308 {strides = array<i32>} : memref<128x16xf32, #tpu.memory_space<vmem>>, vector<16xf32>,
      %add3A_312 = arith.constant 1 : i32
      %add3A_313 = arith.addi %mul3A_237, %add3A_312 : i32
      %add3A_314 = arith.constant 3 : i32
      %add3A_315 = arith.addi %add3A_313, %add3A_314 : i32
      %dma_start3A_316 = arith.constant 0 : i32
      %dma_start3A_317 = arith.constant 0 : i32
      %dma_start3A_318 = tpu.memref_slice %arg8[%dma_start3A_316, %dma_start3A_317] : memref<200x16xf32, #tpu.memory_space<vmem>> -> memref<104x16xf32, #tpu.memory_space<vmem>>
      %dma_start3A_319 = arith.constant 0 : i32
      %dma_start3A_320 = tpu.memref_slice %arg6[%add3A_315, %dma_start3A_319] : memref<128x200xi32, #tpu.memory_space<vmem>> -> memref<1x104xi32, #tpu.memory_space<vmem>>
      %dma_start3A_321 = tpu.memref_squeeze %dma_start3A_320 : memref<1x104xi32, #tpu.memory_space<vmem>> -> memref<104xi32, #tpu.memory_space<vmem>>
      %dma_start3A_322 = arith.constant 0 : i32
      %dma_start3A_323 = arith.constant 0 : i32
      %dma_start3A_324 = tpu.memref_slice %arg3[%dma_start3A_322, %dma_start3A_323] : memref<100000x16xf32, #tpu.memory_space<hbm>> -> memref<100000x16xf32, #tpu.memory_space<hbm>>
      tpu.enqueue_indirect_dma source(%dma_start3A_324 : memref<100000x16xf32, #tpu.memory_space<hbm>>) target(%dma_start3A_318 : memref<104x16xf32, #tpu.memory_space<vmem>>) offsets(%dma_start3A_321 : memref<104xi32, #tpu.memory_space<vmem>>) semaphore(%arg13 : memref<!tpu.dma_semaphore, #tpu.memory_space<semaphore_mem>>)
      %dma_start3A_325 = arith.constant 104 : i32
      %dma_start3A_326 = arith.constant 0 : i32
      %dma_start3A_327 = tpu.memref_slice %arg8[%dma_start3A_325, %dma_start3A_326] : memref<200x16xf32, #tpu.memory_space<vmem>> -> memref<96x16xf32, #tpu.memory_space<vmem>>
      %dma_start3A_328 = arith.constant 104 : i32
      %dma_start3A_329 = tpu.memref_slice %arg6[%add3A_315, %dma_start3A_328] : memref<128x200xi32, #tpu.memory_space<vmem>> -> memref<1x96xi32, #tpu.memory_space<vmem>>
      %dma_start3A_330 = tpu.memref_squeeze %dma_start3A_329 : memref<1x96xi32, #tpu.memory_space<vmem>> -> memref<96xi32, #tpu.memory_space<vmem>>
      %dma_start3A_331 = arith.constant 0 : i32
      %dma_start3A_332 = arith.constant 0 : i32
      %dma_start3A_333 = tpu.memref_slice %arg3[%dma_start3A_331, %dma_start3A_332] : memref<100000x16xf32, #tpu.memory_space<hbm>> -> memref<100000x16xf32, #tpu.memory_space<hbm>>
      tpu.enqueue_indirect_dma source(%dma_start3A_333 : memref<100000x16xf32, #tpu.memory_space<hbm>>) target(%dma_start3A_327 : memref<96x16xf32, #tpu.memory_space<vmem>>) offsets(%dma_start3A_330 : memref<96xi32, #tpu.memory_space<vmem>>) semaphore(%arg13 : memref<!tpu.dma_semaphore, #tpu.memory_space<semaphore_mem>>)
      %dma_wait3A_334 = arith.constant 0 : i32
      %dma_wait3A_335 = arith.constant 0 : i32
      %dma_wait3A_336 = tpu.memref_slice %arg3[%dma_wait3A_334, %dma_wait3A_335] : memref<100000x16xf32, #tpu.memory_space<hbm>> -> memref<200x16xf32, #tpu.memory_space<hbm>>
      %dma_wait3A_337 = arith.constant 0 : i32
      %dma_wait3A_338 = arith.constant 0 : i32
      %dma_wait3A_339 = tpu.memref_slice %arg3[%dma_wait3A_337, %dma_wait3A_338] : memref<100000x16xf32, #tpu.memory_space<hbm>> -> memref<200x16xf32, #tpu.memory_space<hbm>>
      tpu.wait_dma2 semaphore(%arg14 : memref<!tpu.dma_semaphore, #tpu.memory_space<semaphore_mem>>) src(%dma_wait3A_339 : memref<200x16xf32, #tpu.memory_space<hbm>>) dst(%arg9 : memref<200x16xf32, #tpu.memory_space<vmem>>)
      %add3A_340 = arith.constant 2 : i32
      %add3A_341 = arith.addi %mul3A_237, %add3A_340 : i32
      %broadcast_in_dim3A_342 = arith.constant 0.000000e+00 : f32
      %broadcast_in_dim3A_343 = vector.broadcast %broadcast_in_dim3A_342 : f32 to vector<16xf32>
      %scan3A_344 = arith.constant 0 : i32
      %scan3A_345 = arith.constant 50 : i32
      %scan3A_346 = arith.addi %scan3A_344, %scan3A_345 : i32
      %scan3A_347 = arith.constant 1 : i32
      %scan3A_348:4 = scf.for %scan3A_382 = %scan3A_344 to %scan3A_346 step %scan3A_347 iter_args(%scan3A_383 = %broadcast_in_dim3A_343, %scan3A_384 = %broadcast_in_dim3A_343, %scan3A_385 = %broadcast_in_dim3A_343, %scan3A_386 = %broadcast_in_dim3A_343) -> (vector<16xf32>, vector<16xf32>, vector<16xf32>, vector<16xf32>)  : i32 {
        %mul3A_387 = arith.constant 4 : i32
        %mul3A_388 = arith.muli %scan3A_382, %mul3A_387 : i32
        %add3A_389 = arith.constant 0 : i32
        %add3A_390 = arith.addi %mul3A_388, %add3A_389 : i32
        %get3A_391 = arith.index_cast %add3A_390 : i32 to index
        %get3A_392 = arith.constant 0 : index
        %get3A_393 = tpu.vector_load %arg9[%get3A_391, %get3A_392] {strides = array<i32>} : memref<200x16xf32, #tpu.memory_space<vmem>>, vector<16xf32>,
        %add3A_394 = arith.addf %scan3A_383, %get3A_393 : vector<16xf32>
        %add3A_395 = arith.constant 1 : i32
        %add3A_396 = arith.addi %mul3A_388, %add3A_395 : i32
        %get3A_397 = arith.index_cast %add3A_396 : i32 to index
        %get3A_398 = arith.constant 0 : index
        %get3A_399 = tpu.vector_load %arg9[%get3A_397, %get3A_398] {strides = array<i32>} : memref<200x16xf32, #tpu.memory_space<vmem>>, vector<16xf32>,
        %add3A_400 = arith.addf %scan3A_384, %get3A_399 : vector<16xf32>
        %add3A_401 = arith.constant 2 : i32
        %add3A_402 = arith.addi %mul3A_388, %add3A_401 : i32
        %get3A_403 = arith.index_cast %add3A_402 : i32 to index
        %get3A_404 = arith.constant 0 : index
        %get3A_405 = tpu.vector_load %arg9[%get3A_403, %get3A_404] {strides = array<i32>} : memref<200x16xf32, #tpu.memory_space<vmem>>, vector<16xf32>,
        %add3A_406 = arith.addf %scan3A_385, %get3A_405 : vector<16xf32>
        %add3A_407 = arith.constant 3 : i32
        %add3A_408 = arith.addi %mul3A_388, %add3A_407 : i32
        %get3A_409 = arith.index_cast %add3A_408 : i32 to index
        %get3A_410 = arith.constant 0 : index
        %get3A_411 = tpu.vector_load %arg9[%get3A_409, %get3A_410] {strides = array<i32>} : memref<200x16xf32, #tpu.memory_space<vmem>>, vector<16xf32>,
        %add3A_412 = arith.addf %scan3A_386, %get3A_411 : vector<16xf32>
        scf.yield %add3A_394, %add3A_400, %add3A_406, %add3A_412 : vector<16xf32>, vector<16xf32>, vector<16xf32>, vector<16xf32>
      }
      %scan3A_349 = arith.constant 50 : i32
      %add3A_350 = arith.addf %scan3A_348#0, %scan3A_348#1 : vector<16xf32>
      %add3A_351 = arith.addf %scan3A_348#2, %scan3A_348#3 : vector<16xf32>
      %add3A_352 = arith.addf %add3A_350, %add3A_351 : vector<16xf32>
      %mul3A_353 = arith.constant 5.000000e-03 : f32
      %mul3A_354 = vector.broadcast %mul3A_353 : f32 to vector<16xf32>
      %mul3A_355 = arith.mulf %add3A_352, %mul3A_354 : vector<16xf32>
      %add3A_356 = arith.addf %mul3A_355, %get3A_3 : vector<16xf32>
      %swap3A_357 = arith.index_cast %add3A_341 : i32 to index
      %swap3A_358 = arith.constant 0 : index
      %swap3A_359 = tpu.vector_load %arg10[%swap3A_357, %swap3A_358] {strides = array<i32>} : memref<128x16xf32, #tpu.memory_space<vmem>>, vector<16xf32>,
      tpu.vector_store %arg10[%swap3A_357, %swap3A_358], %add3A_356 {strides = array<i32>} : memref<128x16xf32, #tpu.memory_space<vmem>>, vector<16xf32>,
      %add3A_360 = arith.constant 2 : i32
      %add3A_361 = arith.addi %mul3A_237, %add3A_360 : i32
      %add3A_362 = arith.constant 3 : i32
      %add3A_363 = arith.addi %add3A_361, %add3A_362 : i32
      %dma_start3A_364 = arith.constant 0 : i32
      %dma_start3A_365 = arith.constant 0 : i32
      %dma_start3A_366 = tpu.memref_slice %arg9[%dma_start3A_364, %dma_start3A_365] : memref<200x16xf32, #tpu.memory_space<vmem>> -> memref<104x16xf32, #tpu.memory_space<vmem>>
      %dma_start3A_367 = arith.constant 0 : i32
      %dma_start3A_368 = tpu.memref_slice %arg6[%add3A_363, %dma_start3A_367] : memref<128x200xi32, #tpu.memory_space<vmem>> -> memref<1x104xi32, #tpu.memory_space<vmem>>
      %dma_start3A_369 = tpu.memref_squeeze %dma_start3A_368 : memref<1x104xi32, #tpu.memory_space<vmem>> -> memref<104xi32, #tpu.memory_space<vmem>>
      %dma_start3A_370 = arith.constant 0 : i32
      %dma_start3A_371 = arith.constant 0 : i32
      %dma_start3A_372 = tpu.memref_slice %arg3[%dma_start3A_370, %dma_start3A_371] : memref<100000x16xf32, #tpu.memory_space<hbm>> -> memref<100000x16xf32, #tpu.memory_space<hbm>>
      tpu.enqueue_indirect_dma source(%dma_start3A_372 : memref<100000x16xf32, #tpu.memory_space<hbm>>) target(%dma_start3A_366 : memref<104x16xf32, #tpu.memory_space<vmem>>) offsets(%dma_start3A_369 : memref<104xi32, #tpu.memory_space<vmem>>) semaphore(%arg14 : memref<!tpu.dma_semaphore, #tpu.memory_space<semaphore_mem>>)
      %dma_start3A_373 = arith.constant 104 : i32
      %dma_start3A_374 = arith.constant 0 : i32
      %dma_start3A_375 = tpu.memref_slice %arg9[%dma_start3A_373, %dma_start3A_374] : memref<200x16xf32, #tpu.memory_space<vmem>> -> memref<96x16xf32, #tpu.memory_space<vmem>>
      %dma_start3A_376 = arith.constant 104 : i32
      %dma_start3A_377 = tpu.memref_slice %arg6[%add3A_363, %dma_start3A_376] : memref<128x200xi32, #tpu.memory_space<vmem>> -> memref<1x96xi32, #tpu.memory_space<vmem>>
      %dma_start3A_378 = tpu.memref_squeeze %dma_start3A_377 : memref<1x96xi32, #tpu.memory_space<vmem>> -> memref<96xi32, #tpu.memory_space<vmem>>
      %dma_start3A_379 = arith.constant 0 : i32
      %dma_start3A_380 = arith.constant 0 : i32
      %dma_start3A_381 = tpu.memref_slice %arg3[%dma_start3A_379, %dma_start3A_380] : memref<100000x16xf32, #tpu.memory_space<hbm>> -> memref<100000x16xf32, #tpu.memory_space<hbm>>
      tpu.enqueue_indirect_dma source(%dma_start3A_381 : memref<100000x16xf32, #tpu.memory_space<hbm>>) target(%dma_start3A_375 : memref<96x16xf32, #tpu.memory_space<vmem>>) offsets(%dma_start3A_378 : memref<96xi32, #tpu.memory_space<vmem>>) semaphore(%arg14 : memref<!tpu.dma_semaphore, #tpu.memory_space<semaphore_mem>>)
    }
    %scan3A_68 = arith.constant 41 : i32
    %dma_wait3A = arith.constant 0 : i32
    %dma_wait3A_69 = arith.constant 0 : i32
    %dma_wait3A_70 = tpu.memref_slice %arg3[%dma_wait3A, %dma_wait3A_69] : memref<100000x16xf32, #tpu.memory_space<hbm>> -> memref<200x16xf32, #tpu.memory_space<hbm>>
    %dma_wait3A_71 = arith.constant 0 : i32
    %dma_wait3A_72 = arith.constant 0 : i32
    %dma_wait3A_73 = tpu.memref_slice %arg3[%dma_wait3A_71, %dma_wait3A_72] : memref<100000x16xf32, #tpu.memory_space<hbm>> -> memref<200x16xf32, #tpu.memory_space<hbm>>
    tpu.wait_dma2 semaphore(%arg12 : memref<!tpu.dma_semaphore, #tpu.memory_space<semaphore_mem>>) src(%dma_wait3A_73 : memref<200x16xf32, #tpu.memory_space<hbm>>) dst(%arg7 : memref<200x16xf32, #tpu.memory_space<vmem>>)
    %broadcast_in_dim3A = arith.constant 0.000000e+00 : f32
    %broadcast_in_dim3A_74 = vector.broadcast %broadcast_in_dim3A : f32 to vector<16xf32>
    %scan3A_75 = arith.constant 0 : i32
    %scan3A_76 = arith.constant 50 : i32
    %scan3A_77 = arith.addi %scan3A_75, %scan3A_76 : i32
    %scan3A_78 = arith.constant 1 : i32
    %scan3A_79:4 = scf.for %scan3A_231 = %scan3A_75 to %scan3A_77 step %scan3A_78 iter_args(%scan3A_232 = %broadcast_in_dim3A_74, %scan3A_233 = %broadcast_in_dim3A_74, %scan3A_234 = %broadcast_in_dim3A_74, %scan3A_235 = %broadcast_in_dim3A_74) -> (vector<16xf32>, vector<16xf32>, vector<16xf32>, vector<16xf32>)  : i32 {
      %mul3A_236 = arith.constant 4 : i32
      %mul3A_237 = arith.muli %scan3A_231, %mul3A_236 : i32
      %add3A_238 = arith.constant 0 : i32
      %add3A_239 = arith.addi %mul3A_237, %add3A_238 : i32
      %get3A_240 = arith.index_cast %add3A_239 : i32 to index
      %get3A_241 = arith.constant 0 : index
      %get3A_242 = tpu.vector_load %arg7[%get3A_240, %get3A_241] {strides = array<i32>} : memref<200x16xf32, #tpu.memory_space<vmem>>, vector<16xf32>,
      %add3A_243 = arith.addf %scan3A_232, %get3A_242 : vector<16xf32>
      %add3A_244 = arith.constant 1 : i32
      %add3A_245 = arith.addi %mul3A_237, %add3A_244 : i32
      %get3A_246 = arith.index_cast %add3A_245 : i32 to index
      %get3A_247 = arith.constant 0 : index
      %get3A_248 = tpu.vector_load %arg7[%get3A_246, %get3A_247] {strides = array<i32>} : memref<200x16xf32, #tpu.memory_space<vmem>>, vector<16xf32>,
      %add3A_249 = arith.addf %scan3A_233, %get3A_248 : vector<16xf32>
      %add3A_250 = arith.constant 2 : i32
      %add3A_251 = arith.addi %mul3A_237, %add3A_250 : i32
      %get3A_252 = arith.index_cast %add3A_251 : i32 to index
      %get3A_253 = arith.constant 0 : index
      %get3A_254 = tpu.vector_load %arg7[%get3A_252, %get3A_253] {strides = array<i32>} : memref<200x16xf32, #tpu.memory_space<vmem>>, vector<16xf32>,
      %add3A_255 = arith.addf %scan3A_234, %get3A_254 : vector<16xf32>
      %add3A_256 = arith.constant 3 : i32
      %add3A_257 = arith.addi %mul3A_237, %add3A_256 : i32
      %get3A_258 = arith.index_cast %add3A_257 : i32 to index
      %get3A_259 = arith.constant 0 : index
      %get3A_260 = tpu.vector_load %arg7[%get3A_258, %get3A_259] {strides = array<i32>} : memref<200x16xf32, #tpu.memory_space<vmem>>, vector<16xf32>,
      %add3A_261 = arith.addf %scan3A_235, %get3A_260 : vector<16xf32>
      scf.yield %add3A_243, %add3A_249, %add3A_255, %add3A_261 : vector<16xf32>, vector<16xf32>, vector<16xf32>, vector<16xf32>
    }
    %scan3A_80 = arith.constant 50 : i32
    %add3A_81 = arith.addf %scan3A_79#0, %scan3A_79#1 : vector<16xf32>
    %add3A_82 = arith.addf %scan3A_79#2, %scan3A_79#3 : vector<16xf32>
    %add3A_83 = arith.addf %add3A_81, %add3A_82 : vector<16xf32>
    %mul3A_84 = arith.constant 5.000000e-03 : f32
    %mul3A_85 = vector.broadcast %mul3A_84 : f32 to vector<16xf32>
    %mul3A_86 = arith.mulf %add3A_83, %mul3A_85 : vector<16xf32>
    %add3A_87 = arith.addf %mul3A_86, %get3A_3 : vector<16xf32>
    %swap3A = arith.constant 123 : i32
    %swap3A_88 = arith.index_cast %swap3A : i32 to index
    %swap3A_89 = arith.constant 0 : index
    %swap3A_90 = tpu.vector_load %arg10[%swap3A_88, %swap3A_89] {strides = array<i32>} : memref<128x16xf32, #tpu.memory_space<vmem>>, vector<16xf32>,
    tpu.vector_store %arg10[%swap3A_88, %swap3A_89], %add3A_87 {strides = array<i32>} : memref<128x16xf32, #tpu.memory_space<vmem>>, vector<16xf32>,
    %dma_start3A_91 = arith.constant 126 : i32
    %dma_start3A_92 = arith.constant 0 : i32
    %dma_start3A_93 = arith.constant 0 : i32
    %dma_start3A_94 = tpu.memref_slice %arg7[%dma_start3A_92, %dma_start3A_93] : memref<200x16xf32, #tpu.memory_space<vmem>> -> memref<104x16xf32, #tpu.memory_space<vmem>>
    %dma_start3A_95 = arith.constant 0 : i32
    %dma_start3A_96 = tpu.memref_slice %arg6[%dma_start3A_91, %dma_start3A_95] : memref<128x200xi32, #tpu.memory_space<vmem>> -> memref<1x104xi32, #tpu.memory_space<vmem>>
    %dma_start3A_97 = tpu.memref_squeeze %dma_start3A_96 : memref<1x104xi32, #tpu.memory_space<vmem>> -> memref<104xi32, #tpu.memory_space<vmem>>
    %dma_start3A_98 = arith.constant 0 : i32
    %dma_start3A_99 = arith.constant 0 : i32
    %dma_start3A_100 = tpu.memref_slice %arg3[%dma_start3A_98, %dma_start3A_99] : memref<100000x16xf32, #tpu.memory_space<hbm>> -> memref<100000x16xf32, #tpu.memory_space<hbm>>
    tpu.enqueue_indirect_dma source(%dma_start3A_100 : memref<100000x16xf32, #tpu.memory_space<hbm>>) target(%dma_start3A_94 : memref<104x16xf32, #tpu.memory_space<vmem>>) offsets(%dma_start3A_97 : memref<104xi32, #tpu.memory_space<vmem>>) semaphore(%arg12 : memref<!tpu.dma_semaphore, #tpu.memory_space<semaphore_mem>>)
    %dma_start3A_101 = arith.constant 126 : i32
    %dma_start3A_102 = arith.constant 104 : i32
    %dma_start3A_103 = arith.constant 0 : i32
    %dma_start3A_104 = tpu.memref_slice %arg7[%dma_start3A_102, %dma_start3A_103] : memref<200x16xf32, #tpu.memory_space<vmem>> -> memref<96x16xf32, #tpu.memory_space<vmem>>
    %dma_start3A_105 = arith.constant 104 : i32
    %dma_start3A_106 = tpu.memref_slice %arg6[%dma_start3A_101, %dma_start3A_105] : memref<128x200xi32, #tpu.memory_space<vmem>> -> memref<1x96xi32, #tpu.memory_space<vmem>>
    %dma_start3A_107 = tpu.memref_squeeze %dma_start3A_106 : memref<1x96xi32, #tpu.memory_space<vmem>> -> memref<96xi32, #tpu.memory_space<vmem>>
    %dma_start3A_108 = arith.constant 0 : i32
    %dma_start3A_109 = arith.constant 0 : i32
    %dma_start3A_110 = tpu.memref_slice %arg3[%dma_start3A_108, %dma_start3A_109] : memref<100000x16xf32, #tpu.memory_space<hbm>> -> memref<100000x16xf32, #tpu.memory_space<hbm>>
    tpu.enqueue_indirect_dma source(%dma_start3A_110 : memref<100000x16xf32, #tpu.memory_space<hbm>>) target(%dma_start3A_104 : memref<96x16xf32, #tpu.memory_space<vmem>>) offsets(%dma_start3A_107 : memref<96xi32, #tpu.memory_space<vmem>>) semaphore(%arg12 : memref<!tpu.dma_semaphore, #tpu.memory_space<semaphore_mem>>)
    %dma_wait3A_111 = arith.constant 0 : i32
    %dma_wait3A_112 = arith.constant 0 : i32
    %dma_wait3A_113 = tpu.memref_slice %arg3[%dma_wait3A_111, %dma_wait3A_112] : memref<100000x16xf32, #tpu.memory_space<hbm>> -> memref<200x16xf32, #tpu.memory_space<hbm>>
    %dma_wait3A_114 = arith.constant 0 : i32
    %dma_wait3A_115 = arith.constant 0 : i32
    %dma_wait3A_116 = tpu.memref_slice %arg3[%dma_wait3A_114, %dma_wait3A_115] : memref<100000x16xf32, #tpu.memory_space<hbm>> -> memref<200x16xf32, #tpu.memory_space<hbm>>
    tpu.wait_dma2 semaphore(%arg13 : memref<!tpu.dma_semaphore, #tpu.memory_space<semaphore_mem>>) src(%dma_wait3A_116 : memref<200x16xf32, #tpu.memory_space<hbm>>) dst(%arg8 : memref<200x16xf32, #tpu.memory_space<vmem>>)
    %broadcast_in_dim3A_117 = arith.constant 0.000000e+00 : f32
    %broadcast_in_dim3A_118 = vector.broadcast %broadcast_in_dim3A_117 : f32 to vector<16xf32>
    %scan3A_119 = arith.constant 0 : i32
    %scan3A_120 = arith.constant 50 : i32
    %scan3A_121 = arith.addi %scan3A_119, %scan3A_120 : i32
    %scan3A_122 = arith.constant 1 : i32
    %scan3A_123:4 = scf.for %scan3A_231 = %scan3A_119 to %scan3A_121 step %scan3A_122 iter_args(%scan3A_232 = %broadcast_in_dim3A_118, %scan3A_233 = %broadcast_in_dim3A_118, %scan3A_234 = %broadcast_in_dim3A_118, %scan3A_235 = %broadcast_in_dim3A_118) -> (vector<16xf32>, vector<16xf32>, vector<16xf32>, vector<16xf32>)  : i32 {
      %mul3A_236 = arith.constant 4 : i32
      %mul3A_237 = arith.muli %scan3A_231, %mul3A_236 : i32
      %add3A_238 = arith.constant 0 : i32
      %add3A_239 = arith.addi %mul3A_237, %add3A_238 : i32
      %get3A_240 = arith.index_cast %add3A_239 : i32 to index
      %get3A_241 = arith.constant 0 : index
      %get3A_242 = tpu.vector_load %arg8[%get3A_240, %get3A_241] {strides = array<i32>} : memref<200x16xf32, #tpu.memory_space<vmem>>, vector<16xf32>,
      %add3A_243 = arith.addf %scan3A_232, %get3A_242 : vector<16xf32>
      %add3A_244 = arith.constant 1 : i32
      %add3A_245 = arith.addi %mul3A_237, %add3A_244 : i32
      %get3A_246 = arith.index_cast %add3A_245 : i32 to index
      %get3A_247 = arith.constant 0 : index
      %get3A_248 = tpu.vector_load %arg8[%get3A_246, %get3A_247] {strides = array<i32>} : memref<200x16xf32, #tpu.memory_space<vmem>>, vector<16xf32>,
      %add3A_249 = arith.addf %scan3A_233, %get3A_248 : vector<16xf32>
      %add3A_250 = arith.constant 2 : i32
      %add3A_251 = arith.addi %mul3A_237, %add3A_250 : i32
      %get3A_252 = arith.index_cast %add3A_251 : i32 to index
      %get3A_253 = arith.constant 0 : index
      %get3A_254 = tpu.vector_load %arg8[%get3A_252, %get3A_253] {strides = array<i32>} : memref<200x16xf32, #tpu.memory_space<vmem>>, vector<16xf32>,
      %add3A_255 = arith.addf %scan3A_234, %get3A_254 : vector<16xf32>
      %add3A_256 = arith.constant 3 : i32
      %add3A_257 = arith.addi %mul3A_237, %add3A_256 : i32
      %get3A_258 = arith.index_cast %add3A_257 : i32 to index
      %get3A_259 = arith.constant 0 : index
      %get3A_260 = tpu.vector_load %arg8[%get3A_258, %get3A_259] {strides = array<i32>} : memref<200x16xf32, #tpu.memory_space<vmem>>, vector<16xf32>,
      %add3A_261 = arith.addf %scan3A_235, %get3A_260 : vector<16xf32>
      scf.yield %add3A_243, %add3A_249, %add3A_255, %add3A_261 : vector<16xf32>, vector<16xf32>, vector<16xf32>, vector<16xf32>
    }
    %scan3A_124 = arith.constant 50 : i32
    %add3A_125 = arith.addf %scan3A_123#0, %scan3A_123#1 : vector<16xf32>
    %add3A_126 = arith.addf %scan3A_123#2, %scan3A_123#3 : vector<16xf32>
    %add3A_127 = arith.addf %add3A_125, %add3A_126 : vector<16xf32>
    %mul3A_128 = arith.constant 5.000000e-03 : f32
    %mul3A_129 = vector.broadcast %mul3A_128 : f32 to vector<16xf32>
    %mul3A_130 = arith.mulf %add3A_127, %mul3A_129 : vector<16xf32>
    %add3A_131 = arith.addf %mul3A_130, %get3A_3 : vector<16xf32>
    %swap3A_132 = arith.constant 124 : i32
    %swap3A_133 = arith.index_cast %swap3A_132 : i32 to index
    %swap3A_134 = arith.constant 0 : index
    %swap3A_135 = tpu.vector_load %arg10[%swap3A_133, %swap3A_134] {strides = array<i32>} : memref<128x16xf32, #tpu.memory_space<vmem>>, vector<16xf32>,
    tpu.vector_store %arg10[%swap3A_133, %swap3A_134], %add3A_131 {strides = array<i32>} : memref<128x16xf32, #tpu.memory_space<vmem>>, vector<16xf32>,
    %dma_start3A_136 = arith.constant 127 : i32
    %dma_start3A_137 = arith.constant 0 : i32
    %dma_start3A_138 = arith.constant 0 : i32
    %dma_start3A_139 = tpu.memref_slice %arg8[%dma_start3A_137, %dma_start3A_138] : memref<200x16xf32, #tpu.memory_space<vmem>> -> memref<104x16xf32, #tpu.memory_space<vmem>>
    %dma_start3A_140 = arith.constant 0 : i32
    %dma_start3A_141 = tpu.memref_slice %arg6[%dma_start3A_136, %dma_start3A_140] : memref<128x200xi32, #tpu.memory_space<vmem>> -> memref<1x104xi32, #tpu.memory_space<vmem>>
    %dma_start3A_142 = tpu.memref_squeeze %dma_start3A_141 : memref<1x104xi32, #tpu.memory_space<vmem>> -> memref<104xi32, #tpu.memory_space<vmem>>
    %dma_start3A_143 = arith.constant 0 : i32
    %dma_start3A_144 = arith.constant 0 : i32
    %dma_start3A_145 = tpu.memref_slice %arg3[%dma_start3A_143, %dma_start3A_144] : memref<100000x16xf32, #tpu.memory_space<hbm>> -> memref<100000x16xf32, #tpu.memory_space<hbm>>
    tpu.enqueue_indirect_dma source(%dma_start3A_145 : memref<100000x16xf32, #tpu.memory_space<hbm>>) target(%dma_start3A_139 : memref<104x16xf32, #tpu.memory_space<vmem>>) offsets(%dma_start3A_142 : memref<104xi32, #tpu.memory_space<vmem>>) semaphore(%arg13 : memref<!tpu.dma_semaphore, #tpu.memory_space<semaphore_mem>>)
    %dma_start3A_146 = arith.constant 127 : i32
    %dma_start3A_147 = arith.constant 104 : i32
    %dma_start3A_148 = arith.constant 0 : i32
    %dma_start3A_149 = tpu.memref_slice %arg8[%dma_start3A_147, %dma_start3A_148] : memref<200x16xf32, #tpu.memory_space<vmem>> -> memref<96x16xf32, #tpu.memory_space<vmem>>
    %dma_start3A_150 = arith.constant 104 : i32
    %dma_start3A_151 = tpu.memref_slice %arg6[%dma_start3A_146, %dma_start3A_150] : memref<128x200xi32, #tpu.memory_space<vmem>> -> memref<1x96xi32, #tpu.memory_space<vmem>>
    %dma_start3A_152 = tpu.memref_squeeze %dma_start3A_151 : memref<1x96xi32, #tpu.memory_space<vmem>> -> memref<96xi32, #tpu.memory_space<vmem>>
    %dma_start3A_153 = arith.constant 0 : i32
    %dma_start3A_154 = arith.constant 0 : i32
    %dma_start3A_155 = tpu.memref_slice %arg3[%dma_start3A_153, %dma_start3A_154] : memref<100000x16xf32, #tpu.memory_space<hbm>> -> memref<100000x16xf32, #tpu.memory_space<hbm>>
    tpu.enqueue_indirect_dma source(%dma_start3A_155 : memref<100000x16xf32, #tpu.memory_space<hbm>>) target(%dma_start3A_149 : memref<96x16xf32, #tpu.memory_space<vmem>>) offsets(%dma_start3A_152 : memref<96xi32, #tpu.memory_space<vmem>>) semaphore(%arg13 : memref<!tpu.dma_semaphore, #tpu.memory_space<semaphore_mem>>)
    %dma_wait3A_156 = arith.constant 0 : i32
    %dma_wait3A_157 = arith.constant 0 : i32
    %dma_wait3A_158 = tpu.memref_slice %arg3[%dma_wait3A_156, %dma_wait3A_157] : memref<100000x16xf32, #tpu.memory_space<hbm>> -> memref<200x16xf32, #tpu.memory_space<hbm>>
    %dma_wait3A_159 = arith.constant 0 : i32
    %dma_wait3A_160 = arith.constant 0 : i32
    %dma_wait3A_161 = tpu.memref_slice %arg3[%dma_wait3A_159, %dma_wait3A_160] : memref<100000x16xf32, #tpu.memory_space<hbm>> -> memref<200x16xf32, #tpu.memory_space<hbm>>
    tpu.wait_dma2 semaphore(%arg14 : memref<!tpu.dma_semaphore, #tpu.memory_space<semaphore_mem>>) src(%dma_wait3A_161 : memref<200x16xf32, #tpu.memory_space<hbm>>) dst(%arg9 : memref<200x16xf32, #tpu.memory_space<vmem>>)
    %broadcast_in_dim3A_162 = arith.constant 0.000000e+00 : f32
    %broadcast_in_dim3A_163 = vector.broadcast %broadcast_in_dim3A_162 : f32 to vector<16xf32>
    %scan3A_164 = arith.constant 0 : i32
    %scan3A_165 = arith.constant 50 : i32
    %scan3A_166 = arith.addi %scan3A_164, %scan3A_165 : i32
    %scan3A_167 = arith.constant 1 : i32
    %scan3A_168:4 = scf.for %scan3A_231 = %scan3A_164 to %scan3A_166 step %scan3A_167 iter_args(%scan3A_232 = %broadcast_in_dim3A_163, %scan3A_233 = %broadcast_in_dim3A_163, %scan3A_234 = %broadcast_in_dim3A_163, %scan3A_235 = %broadcast_in_dim3A_163) -> (vector<16xf32>, vector<16xf32>, vector<16xf32>, vector<16xf32>)  : i32 {
      %mul3A_236 = arith.constant 4 : i32
      %mul3A_237 = arith.muli %scan3A_231, %mul3A_236 : i32
      %add3A_238 = arith.constant 0 : i32
      %add3A_239 = arith.addi %mul3A_237, %add3A_238 : i32
      %get3A_240 = arith.index_cast %add3A_239 : i32 to index
      %get3A_241 = arith.constant 0 : index
      %get3A_242 = tpu.vector_load %arg9[%get3A_240, %get3A_241] {strides = array<i32>} : memref<200x16xf32, #tpu.memory_space<vmem>>, vector<16xf32>,
      %add3A_243 = arith.addf %scan3A_232, %get3A_242 : vector<16xf32>
      %add3A_244 = arith.constant 1 : i32
      %add3A_245 = arith.addi %mul3A_237, %add3A_244 : i32
      %get3A_246 = arith.index_cast %add3A_245 : i32 to index
      %get3A_247 = arith.constant 0 : index
      %get3A_248 = tpu.vector_load %arg9[%get3A_246, %get3A_247] {strides = array<i32>} : memref<200x16xf32, #tpu.memory_space<vmem>>, vector<16xf32>,
      %add3A_249 = arith.addf %scan3A_233, %get3A_248 : vector<16xf32>
      %add3A_250 = arith.constant 2 : i32
      %add3A_251 = arith.addi %mul3A_237, %add3A_250 : i32
      %get3A_252 = arith.index_cast %add3A_251 : i32 to index
      %get3A_253 = arith.constant 0 : index
      %get3A_254 = tpu.vector_load %arg9[%get3A_252, %get3A_253] {strides = array<i32>} : memref<200x16xf32, #tpu.memory_space<vmem>>, vector<16xf32>,
      %add3A_255 = arith.addf %scan3A_234, %get3A_254 : vector<16xf32>
      %add3A_256 = arith.constant 3 : i32
      %add3A_257 = arith.addi %mul3A_237, %add3A_256 : i32
      %get3A_258 = arith.index_cast %add3A_257 : i32 to index
      %get3A_259 = arith.constant 0 : index
      %get3A_260 = tpu.vector_load %arg9[%get3A_258, %get3A_259] {strides = array<i32>} : memref<200x16xf32, #tpu.memory_space<vmem>>, vector<16xf32>,
      %add3A_261 = arith.addf %scan3A_235, %get3A_260 : vector<16xf32>
      scf.yield %add3A_243, %add3A_249, %add3A_255, %add3A_261 : vector<16xf32>, vector<16xf32>, vector<16xf32>, vector<16xf32>
    }
    %scan3A_169 = arith.constant 50 : i32
    %add3A_170 = arith.addf %scan3A_168#0, %scan3A_168#1 : vector<16xf32>
    %add3A_171 = arith.addf %scan3A_168#2, %scan3A_168#3 : vector<16xf32>
    %add3A_172 = arith.addf %add3A_170, %add3A_171 : vector<16xf32>
    %mul3A_173 = arith.constant 5.000000e-03 : f32
    %mul3A_174 = vector.broadcast %mul3A_173 : f32 to vector<16xf32>
    %mul3A_175 = arith.mulf %add3A_172, %mul3A_174 : vector<16xf32>
    %add3A_176 = arith.addf %mul3A_175, %get3A_3 : vector<16xf32>
    %swap3A_177 = arith.constant 125 : i32
    %swap3A_178 = arith.index_cast %swap3A_177 : i32 to index
    %swap3A_179 = arith.constant 0 : index
    %swap3A_180 = tpu.vector_load %arg10[%swap3A_178, %swap3A_179] {strides = array<i32>} : memref<128x16xf32, #tpu.memory_space<vmem>>, vector<16xf32>,
    tpu.vector_store %arg10[%swap3A_178, %swap3A_179], %add3A_176 {strides = array<i32>} : memref<128x16xf32, #tpu.memory_space<vmem>>, vector<16xf32>,
    %dma_wait3A_181 = arith.constant 0 : i32
    %dma_wait3A_182 = arith.constant 0 : i32
    %dma_wait3A_183 = tpu.memref_slice %arg3[%dma_wait3A_181, %dma_wait3A_182] : memref<100000x16xf32, #tpu.memory_space<hbm>> -> memref<200x16xf32, #tpu.memory_space<hbm>>
    %dma_wait3A_184 = arith.constant 0 : i32
    %dma_wait3A_185 = arith.constant 0 : i32
    %dma_wait3A_186 = tpu.memref_slice %arg3[%dma_wait3A_184, %dma_wait3A_185] : memref<100000x16xf32, #tpu.memory_space<hbm>> -> memref<200x16xf32, #tpu.memory_space<hbm>>
    tpu.wait_dma2 semaphore(%arg12 : memref<!tpu.dma_semaphore, #tpu.memory_space<semaphore_mem>>) src(%dma_wait3A_186 : memref<200x16xf32, #tpu.memory_space<hbm>>) dst(%arg7 : memref<200x16xf32, #tpu.memory_space<vmem>>)
    %broadcast_in_dim3A_187 = arith.constant 0.000000e+00 : f32
    %broadcast_in_dim3A_188 = vector.broadcast %broadcast_in_dim3A_187 : f32 to vector<16xf32>
    %scan3A_189 = arith.constant 0 : i32
    %scan3A_190 = arith.constant 50 : i32
    %scan3A_191 = arith.addi %scan3A_189, %scan3A_190 : i32
    %scan3A_192 = arith.constant 1 : i32
    %scan3A_193:4 = scf.for %scan3A_231 = %scan3A_189 to %scan3A_191 step %scan3A_192 iter_args(%scan3A_232 = %broadcast_in_dim3A_188, %scan3A_233 = %broadcast_in_dim3A_188, %scan3A_234 = %broadcast_in_dim3A_188, %scan3A_235 = %broadcast_in_dim3A_188) -> (vector<16xf32>, vector<16xf32>, vector<16xf32>, vector<16xf32>)  : i32 {
      %mul3A_236 = arith.constant 4 : i32
      %mul3A_237 = arith.muli %scan3A_231, %mul3A_236 : i32
      %add3A_238 = arith.constant 0 : i32
      %add3A_239 = arith.addi %mul3A_237, %add3A_238 : i32
      %get3A_240 = arith.index_cast %add3A_239 : i32 to index
      %get3A_241 = arith.constant 0 : index
      %get3A_242 = tpu.vector_load %arg7[%get3A_240, %get3A_241] {strides = array<i32>} : memref<200x16xf32, #tpu.memory_space<vmem>>, vector<16xf32>,
      %add3A_243 = arith.addf %scan3A_232, %get3A_242 : vector<16xf32>
      %add3A_244 = arith.constant 1 : i32
      %add3A_245 = arith.addi %mul3A_237, %add3A_244 : i32
      %get3A_246 = arith.index_cast %add3A_245 : i32 to index
      %get3A_247 = arith.constant 0 : index
      %get3A_248 = tpu.vector_load %arg7[%get3A_246, %get3A_247] {strides = array<i32>} : memref<200x16xf32, #tpu.memory_space<vmem>>, vector<16xf32>,
      %add3A_249 = arith.addf %scan3A_233, %get3A_248 : vector<16xf32>
      %add3A_250 = arith.constant 2 : i32
      %add3A_251 = arith.addi %mul3A_237, %add3A_250 : i32
      %get3A_252 = arith.index_cast %add3A_251 : i32 to index
      %get3A_253 = arith.constant 0 : index
      %get3A_254 = tpu.vector_load %arg7[%get3A_252, %get3A_253] {strides = array<i32>} : memref<200x16xf32, #tpu.memory_space<vmem>>, vector<16xf32>,
      %add3A_255 = arith.addf %scan3A_234, %get3A_254 : vector<16xf32>
      %add3A_256 = arith.constant 3 : i32
      %add3A_257 = arith.addi %mul3A_237, %add3A_256 : i32
      %get3A_258 = arith.index_cast %add3A_257 : i32 to index
      %get3A_259 = arith.constant 0 : index
      %get3A_260 = tpu.vector_load %arg7[%get3A_258, %get3A_259] {strides = array<i32>} : memref<200x16xf32, #tpu.memory_space<vmem>>, vector<16xf32>,
      %add3A_261 = arith.addf %scan3A_235, %get3A_260 : vector<16xf32>
      scf.yield %add3A_243, %add3A_249, %add3A_255, %add3A_261 : vector<16xf32>, vector<16xf32>, vector<16xf32>, vector<16xf32>
    }
    %scan3A_194 = arith.constant 50 : i32
    %add3A_195 = arith.addf %scan3A_193#0, %scan3A_193#1 : vector<16xf32>
    %add3A_196 = arith.addf %scan3A_193#2, %scan3A_193#3 : vector<16xf32>
    %add3A_197 = arith.addf %add3A_195, %add3A_196 : vector<16xf32>
    %mul3A_198 = arith.constant 5.000000e-03 : f32
    %mul3A_199 = vector.broadcast %mul3A_198 : f32 to vector<16xf32>
    %mul3A_200 = arith.mulf %add3A_197, %mul3A_199 : vector<16xf32>
    %add3A_201 = arith.addf %mul3A_200, %get3A_3 : vector<16xf32>
    %swap3A_202 = arith.constant 126 : i32
    %swap3A_203 = arith.index_cast %swap3A_202 : i32 to index
    %swap3A_204 = arith.constant 0 : index
    %swap3A_205 = tpu.vector_load %arg10[%swap3A_203, %swap3A_204] {strides = array<i32>} : memref<128x16xf32, #tpu.memory_space<vmem>>, vector<16xf32>,
    tpu.vector_store %arg10[%swap3A_203, %swap3A_204], %add3A_201 {strides = array<i32>} : memref<128x16xf32, #tpu.memory_space<vmem>>, vector<16xf32>,
    %dma_wait3A_206 = arith.constant 0 : i32
    %dma_wait3A_207 = arith.constant 0 : i32
    %dma_wait3A_208 = tpu.memref_slice %arg3[%dma_wait3A_206, %dma_wait3A_207] : memref<100000x16xf32, #tpu.memory_space<hbm>> -> memref<200x16xf32, #tpu.memory_space<hbm>>
    %dma_wait3A_209 = arith.constant 0 : i32
    %dma_wait3A_210 = arith.constant 0 : i32
    %dma_wait3A_211 = tpu.memref_slice %arg3[%dma_wait3A_209, %dma_wait3A_210] : memref<100000x16xf32, #tpu.memory_space<hbm>> -> memref<200x16xf32, #tpu.memory_space<hbm>>
    tpu.wait_dma2 semaphore(%arg13 : memref<!tpu.dma_semaphore, #tpu.memory_space<semaphore_mem>>) src(%dma_wait3A_211 : memref<200x16xf32, #tpu.memory_space<hbm>>) dst(%arg8 : memref<200x16xf32, #tpu.memory_space<vmem>>)
    %broadcast_in_dim3A_212 = arith.constant 0.000000e+00 : f32
    %broadcast_in_dim3A_213 = vector.broadcast %broadcast_in_dim3A_212 : f32 to vector<16xf32>
    %scan3A_214 = arith.constant 0 : i32
    %scan3A_215 = arith.constant 50 : i32
    %scan3A_216 = arith.addi %scan3A_214, %scan3A_215 : i32
    %scan3A_217 = arith.constant 1 : i32
    %scan3A_218:4 = scf.for %scan3A_231 = %scan3A_214 to %scan3A_216 step %scan3A_217 iter_args(%scan3A_232 = %broadcast_in_dim3A_213, %scan3A_233 = %broadcast_in_dim3A_213, %scan3A_234 = %broadcast_in_dim3A_213, %scan3A_235 = %broadcast_in_dim3A_213) -> (vector<16xf32>, vector<16xf32>, vector<16xf32>, vector<16xf32>)  : i32 {
      %mul3A_236 = arith.constant 4 : i32
      %mul3A_237 = arith.muli %scan3A_231, %mul3A_236 : i32
      %add3A_238 = arith.constant 0 : i32
      %add3A_239 = arith.addi %mul3A_237, %add3A_238 : i32
      %get3A_240 = arith.index_cast %add3A_239 : i32 to index
      %get3A_241 = arith.constant 0 : index
      %get3A_242 = tpu.vector_load %arg8[%get3A_240, %get3A_241] {strides = array<i32>} : memref<200x16xf32, #tpu.memory_space<vmem>>, vector<16xf32>,
      %add3A_243 = arith.addf %scan3A_232, %get3A_242 : vector<16xf32>
      %add3A_244 = arith.constant 1 : i32
      %add3A_245 = arith.addi %mul3A_237, %add3A_244 : i32
      %get3A_246 = arith.index_cast %add3A_245 : i32 to index
      %get3A_247 = arith.constant 0 : index
      %get3A_248 = tpu.vector_load %arg8[%get3A_246, %get3A_247] {strides = array<i32>} : memref<200x16xf32, #tpu.memory_space<vmem>>, vector<16xf32>,
      %add3A_249 = arith.addf %scan3A_233, %get3A_248 : vector<16xf32>
      %add3A_250 = arith.constant 2 : i32
      %add3A_251 = arith.addi %mul3A_237, %add3A_250 : i32
      %get3A_252 = arith.index_cast %add3A_251 : i32 to index
      %get3A_253 = arith.constant 0 : index
      %get3A_254 = tpu.vector_load %arg8[%get3A_252, %get3A_253] {strides = array<i32>} : memref<200x16xf32, #tpu.memory_space<vmem>>, vector<16xf32>,
      %add3A_255 = arith.addf %scan3A_234, %get3A_254 : vector<16xf32>
      %add3A_256 = arith.constant 3 : i32
      %add3A_257 = arith.addi %mul3A_237, %add3A_256 : i32
      %get3A_258 = arith.index_cast %add3A_257 : i32 to index
      %get3A_259 = arith.constant 0 : index
      %get3A_260 = tpu.vector_load %arg8[%get3A_258, %get3A_259] {strides = array<i32>} : memref<200x16xf32, #tpu.memory_space<vmem>>, vector<16xf32>,
      %add3A_261 = arith.addf %scan3A_235, %get3A_260 : vector<16xf32>
      scf.yield %add3A_243, %add3A_249, %add3A_255, %add3A_261 : vector<16xf32>, vector<16xf32>, vector<16xf32>, vector<16xf32>
    }
    %scan3A_219 = arith.constant 50 : i32
    %add3A_220 = arith.addf %scan3A_218#0, %scan3A_218#1 : vector<16xf32>
    %add3A_221 = arith.addf %scan3A_218#2, %scan3A_218#3 : vector<16xf32>
    %add3A_222 = arith.addf %add3A_220, %add3A_221 : vector<16xf32>
    %mul3A_223 = arith.constant 5.000000e-03 : f32
    %mul3A_224 = vector.broadcast %mul3A_223 : f32 to vector<16xf32>
    %mul3A_225 = arith.mulf %add3A_222, %mul3A_224 : vector<16xf32>
    %add3A_226 = arith.addf %mul3A_225, %get3A_3 : vector<16xf32>
    %swap3A_227 = arith.constant 127 : i32
    %swap3A_228 = arith.index_cast %swap3A_227 : i32 to index
    %swap3A_229 = arith.constant 0 : index
    %swap3A_230 = tpu.vector_load %arg10[%swap3A_228, %swap3A_229] {strides = array<i32>} : memref<128x16xf32, #tpu.memory_space<vmem>>, vector<16xf32>,
    tpu.vector_store %arg10[%swap3A_228, %swap3A_229], %add3A_226 {strides = array<i32>} : memref<128x16xf32, #tpu.memory_space<vmem>>, vector<16xf32>,
    "tpu.region"() ({
      %run_scoped3A = tpu.sem_alloc : memref<!tpu.dma_semaphore, #tpu.memory_space<semaphore_mem>>
      %dma_start3A_231 = arith.constant 0 : i32
      %dma_start3A_232 = tpu.memref_slice %arg5[%mul3A_2, %dma_start3A_231] : memref<4096x16xf32, #tpu.memory_space<hbm>> -> memref<128x16xf32, #tpu.memory_space<hbm>>
      %dma_start3A_233 = arith.constant 0 : i32
      %dma_start3A_234 = tpu.memref_slice %arg5[%mul3A_2, %dma_start3A_233] : memref<4096x16xf32, #tpu.memory_space<hbm>> -> memref<128x16xf32, #tpu.memory_space<hbm>>
      tpu.enqueue_dma source(%arg10 : memref<128x16xf32, #tpu.memory_space<vmem>>) target(%dma_start3A_234 : memref<128x16xf32, #tpu.memory_space<hbm>>) target_semaphore(%run_scoped3A : memref<!tpu.dma_semaphore, #tpu.memory_space<semaphore_mem>>)
      %dma_wait3A_235 = arith.constant 0 : i32
      %dma_wait3A_236 = tpu.memref_slice %arg5[%mul3A_2, %dma_wait3A_235] : memref<4096x16xf32, #tpu.memory_space<hbm>> -> memref<128x16xf32, #tpu.memory_space<hbm>>
      %dma_wait3A_237 = arith.constant 0 : i32
      %dma_wait3A_238 = tpu.memref_slice %arg5[%mul3A_2, %dma_wait3A_237] : memref<4096x16xf32, #tpu.memory_space<hbm>> -> memref<128x16xf32, #tpu.memory_space<hbm>>
      tpu.wait_dma2 semaphore(%run_scoped3A : memref<!tpu.dma_semaphore, #tpu.memory_space<semaphore_mem>>) src(%arg10 : memref<128x16xf32, #tpu.memory_space<vmem>>) dst(%dma_wait3A_238 : memref<128x16xf32, #tpu.memory_space<hbm>>)
      tpu.yield
    }) : () -> ()
    return
  }
}

module attributes {stable_mosaic.version = 14 : i64} {
  func.func @_tw_body(%arg0: i32, %arg1: memref<10000x128xf32, #tpu.memory_space<vmem>>, %arg2: memref<128x16xf32, #tpu.memory_space<vmem>>, %arg3: memref<10000x16xf32, #tpu.memory_space<vmem>>) attributes {dimension_semantics = [#tpu.dimension_semantics<arbitrary>], iteration_bounds = array<i64: 10>, scalar_prefetch = 0 : i64, scratch_operands = 0 : i64, tpu.core_type = #tpu.core_type<tc>, window_params = [{transform_indices = @transform_0, window_bounds = array<i64: 10000, 128>}, {pipeline_mode = #tpu.pipeline_mode<synchronous>, transform_indices = @transform_1, window_bounds = array<i64: 128, 16>}, {transform_indices = @transform_2, window_bounds = array<i64: 10000, 16>}]} {
    %get3A = arith.constant 0 : index
    %get3A_0 = arith.constant 0 : index
    %get3A_1 = vector.load %arg1[%get3A, %get3A_0] : memref<10000x128xf32, #tpu.memory_space<vmem>>, vector<10000x128xf32>
    %get3A_2 = arith.constant 0 : index
    %get3A_3 = arith.constant 0 : index
    %get3A_4 = vector.load %arg2[%get3A_2, %get3A_3] : memref<128x16xf32, #tpu.memory_space<vmem>>, vector<128x16xf32>
    %dot_general3A = arith.constant dense<0.000000e+00> : vector<10000x16xf32>
    %dot_general3A_5 = tpu.matmul %get3A_1, %get3A_4, %dot_general3A {dimension_numbers = #tpu.dot_dimension_numbers<[1], [0], [0], [1], [0, 0, 1, 1], [], []>, transpose_lhs_hint = false} : vector<10000x128xf32>, vector<128x16xf32>, vector<10000x16xf32> -> vector<10000x16xf32>
    %swap3A = arith.constant 0 : index
    %swap3A_6 = arith.constant 0 : index
    %swap3A_7 = vector.load %arg3[%swap3A, %swap3A_6] : memref<10000x16xf32, #tpu.memory_space<vmem>>, vector<10000x16xf32>
    tpu.vector_store %arg3[%swap3A, %swap3A_6], %dot_general3A_5 {strides = array<i32>} : memref<10000x16xf32, #tpu.memory_space<vmem>>, vector<10000x16xf32>,
    return
  }
  func.func @transform_0(%arg0: i32) -> (i32, i32) {
    %c0_i32 = arith.constant 0 : i32
    %c0_i32_0 = arith.constant 0 : i32
    return %arg0, %c0_i32 : i32, i32
  }
  func.func @transform_1(%arg0: i32) -> (i32, i32) {
    %c0_i32 = arith.constant 0 : i32
    %c0_i32_0 = arith.constant 0 : i32
    %c0_i32_1 = arith.constant 0 : i32
    return %c0_i32, %c0_i32_0 : i32, i32
  }
  func.func @transform_2(%arg0: i32) -> (i32, i32) {
    %c0_i32 = arith.constant 0 : i32
    %c0_i32_0 = arith.constant 0 : i32
    return %arg0, %c0_i32 : i32, i32
  }
}

</mosaic_0001>

<sc_bundles>
// kernel: kernel.4.cloned.1.call-start
scs
__scs_entry_jumppad:
0x0: {  	(pc) =	sbr.rel $0x88, $3  }
0x1: {  	(tag) =	ssettag $0x0;
	lr =	simm.s32 $0x1  }
0x2: {  	[smem:$0x3F9D] =	sst lr;
	_ =	strace $0xD0000000  }
0x3: {  	_ = 	snop  }
0x4: {  	_ = 	snop  }
0x5: {  	_ = 	snop  }
0x6: {  	_ = 	snop  }
0x7: {  	_ = 	snop  }
__scs_overlays_trampoline_lowered:
0x8: {  	[smem:$0x3FAC] =	sst s0  }
0x9: {  	[smem:$0x3FAD] =	sst s1  }
0xa: {  	[smem:$0x3FAE] =	sst s2  }
0xb: {  	[smem:$0x3FAF] =	sst s3  }
0xc: {  	[smem:$0x3FB0] =	sst s4  }
0xd: {  	[smem:$0x3FB1] =	sst s5  }
0xe: {  	[smem:$0x3FB2] =	sst s6  }
0xf: {  	[smem:$0x3FB3] =	sst s7  }
0x10: {  	[smem:$0x3FB4] =	sst s8  }
0x11: {  	[smem:$0x3FB5] =	sst s9;
	s0 =	simm.s32 @!p0 $0x0  }
0x12: {  	s1 =	sld [smem:$0x3F9B];
	s0 =	simm.s32 @p0 $0x1  }
0x13: {  	[smem:$0x3FB6] =	sst s0;
	s0 =	simm.s32 @!p1 $0x0  }
0x14: {  	s2 =	sld [smem:$0x3F9A];
	s0 =	simm.s32 @p1 $0x1  }
0x15: {  	[smem:$0x3FB7] =	sst s0;
	s0 =	simm.s32 @!p2 $0x0  }
0x16: {  	s3 =	sld [smem:$0x3FDB];
	s0 =	simm.s32 @p2 $0x1  }
0x17: {  	s4 =	simm.s32 $0x1BF5;
	[smem:$0x3FB9] =	sst s0  }
0x18: {  	s0 =	sld [smem:$0x3F9C];
	_ =	swait.ge [sflag:s4], $0x0  }
0x19: {  	s7 =	sld [smem:$0x3F9D]  }
0x1a: {  	s8 =	sadd.s32 $0xFFFFE003, lr  }
0x1b: {  	s9 =	sadd.s32 $0xFFFFFEF7, lr;
	s5 =	simm.s32 $0xFFFFFFFF;
	p2 =	slt.u32 s8, $0xFFFFF086  }
0x1c: {  	p1 =	slt.u32 s9, $0xF7A;
	s5 =	simm.s32 @!p2 $0x0  }
0x1d: {  	s5 =	simm.s32 @p1 $0x1;
	p0 =	seq.s32 s7, s2  }
0x1e: {  	s7 =	smul.u32 @!p0 $0xF7A, s2;
	p2 =	seq.s32 @!p0 s5, $0x0  }
0x1f: {  	s9 =	smul.u32 $0xF7A, s1;
	s8 =	simm.s32 @!p0 $0x1BF5;
	p2 =	por !p2, p0  }
0x20: {  	[sflag:s8] =	ssyncset.s32 @!p0 $0xFFFFF086;
	s6 =	sadd.s32 @!p0 s3, s7;
	s7 =	simm.s32 @!p0 $0x108  }
0x21: {  	s3 =	sadd.s32 s3, s9;
	s6 =	sadd.s32 @!p0 $0x88, s6;
	s7 =	simm.s32 @p2 $0x1082  }
0x22: {  	[simem:s7], [sflag:s8] =	dma.local @!p0 [hbm:s6], $0xF7A  }
0x23: {  	s9 =	sor.u32 $0xD0000000, s2;
	s6 =	simm.s32 $0x108;
	_ =	swait.ge @!p0 [sflag:s8], $0x0  }
0x24: {  	s3 =	sadd.s32 $0x88, s3;
	s6 =	simm.s32 @!p1 $0x1082;
	[sflag:s4] =	ssyncset.s32 $0xFFFFF086  }
0x25: {  	[simem:s6], [sflag:s4] =	dma.local [hbm:s3], $0xF7A  }
0x26: {  	[smem:$0x3F9D] =	sst s1;
	(tag) =	ssettag s2;
	_ =	strace s9  }
0x27: {  	s1 =	sld [smem:$0x3FAD]  }
0x28: {  	s2 =	sld [smem:$0x3FAE]  }
0x29: {  	s4 =	sld [smem:$0x3FB0]  }
0x2a: {  	p0 =	seq.s32 s5, $0x0;
	s5 =	sld [smem:$0x3FB1]  }
0x2b: {  	s6 =	sld [smem:$0x3FB2]  }
0x2c: {  	s7 =	sld [smem:$0x3FB3]  }
0x2d: {  	s3 =	simm.s32 $0x108;
	s8 =	sld [smem:$0x3FB4]  }
0x2e: {  	s3 =	simm.s32 @!p0 $0x1082;
	s9 =	sld [smem:$0x3FB5]  }
0x2f: {  	lr =	sadd.s32 s0, s3;
	s0 =	sld [smem:$0x3FAC]  }
0x30: {  	s3 =	sld [smem:$0x3FAF]  }
0x31: {  	[smem:$0x3FB8] =	sst s10  }
0x32: {  	s10 =	sld [smem:$0x3FB6];
	_ =	sdelay $0x3  }
0x33: {  	p0 =	seq.s32 s10, $0x1;
	s10 =	sld [smem:$0x3FB8];
	_ =	sdelay $0x3  }
0x34: {  	[smem:$0x3FB8] =	sst s10  }
0x35: {  	s10 =	sld [smem:$0x3FB7];
	_ =	sdelay $0x3  }
0x36: {  	p1 =	seq.s32 s10, $0x1;
	s10 =	sld [smem:$0x3FB8];
	_ =	sdelay $0x3  }
0x37: {  	[smem:$0x3FB8] =	sst s10  }
0x38: {  	s10 =	sld [smem:$0x3FB9]  }
0x39: {  	_ = 	snop;
	(pc) =	sbr.ind lr, $3  }
0x3a: {  	_ = 	snop  }
0x3b: {  	_ = 	snop  }
0x3c: {  	p2 =	seq.s32 s10, $0x1;
	s10 =	sld [smem:$0x3FB8]  }
0x3d: {  	_ =	shalt  }
0x3e: {  	_ =	shalt  }
0x3f: {  	_ =	shalt  }
0x40: {  	_ =	shalt  }
0x41: {  	_ =	shalt  }
0x42: {  	_ =	shalt  }
0x43: {  	_ =	shalt  }
0x44: {  	_ =	shalt  }
0x45: {  	_ =	shalt  }
0x46: {  	_ =	shalt  }
0x47: {  	_ =	shalt  }
0x48: {  	_ =	shalt  }
0x49: {  	_ =	shalt  }
0x4a: {  	_ =	shalt  }
0x4b: {  	_ =	shalt  }
0x4c: {  	_ =	shalt  }
0x4d: {  	_ =	shalt  }
0x4e: {  	_ =	shalt  }
0x4f: {  	_ =	shalt  }
0x50: {  	_ =	shalt  }
0x51: {  	_ =	shalt  }
0x52: {  	_ =	shalt  }
0x53: {  	_ =	shalt  }
0x54: {  	_ =	shalt  }
0x55: {  	_ =	shalt  }
0x56: {  	_ =	shalt  }
0x57: {  	_ =	shalt  }
0x58: {  	_ =	shalt  }
0x59: {  	_ =	shalt  }
0x5a: {  	_ =	shalt  }
0x5b: {  	_ =	shalt  }
0x5c: {  	_ =	shalt  }
0x5d: {  	_ =	shalt  }
0x5e: {  	_ =	shalt  }
0x5f: {  	_ =	shalt  }
0x60: {  	_ =	shalt  }
0x61: {  	_ =	shalt  }
0x62: {  	_ =	shalt  }
0x63: {  	_ =	shalt  }
0x64: {  	_ =	shalt  }
0x65: {  	_ =	shalt  }
0x66: {  	_ =	shalt  }
0x67: {  	_ =	shalt  }
0x68: {  	_ =	shalt  }
0x69: {  	_ =	shalt  }
0x6a: {  	_ =	shalt  }
0x6b: {  	_ =	shalt  }
0x6c: {  	_ =	shalt  }
0x6d: {  	_ =	shalt  }
0x6e: {  	_ =	shalt  }
0x6f: {  	_ =	shalt  }
0x70: {  	_ =	shalt  }
0x71: {  	_ =	shalt  }
0x72: {  	_ =	shalt  }
0x73: {  	_ =	shalt  }
0x74: {  	_ =	shalt  }
0x75: {  	_ =	shalt  }
0x76: {  	_ =	shalt  }
0x77: {  	_ =	shalt  }
0x78: {  	_ =	shalt  }
0x79: {  	_ =	shalt  }
0x7a: {  	_ =	shalt  }
0x7b: {  	_ =	shalt  }
0x7c: {  	_ =	shalt  }
0x7d: {  	_ =	shalt  }
0x7e: {  	_ =	shalt  }
0x7f: {  	_ =	shalt  }
0x80: {  	_ =	shalt  }
0x81: {  	_ =	shalt  }
0x82: {  	_ =	shalt  }
0x83: {  	_ =	shalt  }
0x84: {  	_ =	shalt  }
0x85: {  	_ =	shalt  }
0x86: {  	_ =	shalt  }
0x87: {  	_ =	shalt  }
.Lfunc_end0:
.L_simem_size_0:
called_computation_lowered:
.L_overlay_start_0:
0x88: {  	s2 =	sld [smem:$0x3FD9]  }
0x89: {  	s3 =	sld [smem:$0x3FFE];
	_ =	sdelay $0x1  }
0x8a: {  	s1 =	srdreg.scid  }
0x8b: {  	s0 =	sand.u32 $0x1, s1  }
0x8c: {  	s17 =	sshll.u32 s0, $0xA;
	s2 =	sadd.s32 s3, s2  }
0x8d: {  	s2 =	sadd.s32 s2, s17  }
0x8e: {  	[smem:$0x3FC4] =	sst s2  }
0x8f: {  	_ = 	snop  }
0x90: {  	s2 =	sld [smem:$0x3FD0];
	(tm) =	ssettm $0x1  }
0x91: {  	s18 =	sld [smem:$0x3FFB];
	_ =	sdelay $0x3  }
0x92: {  	_ =	strace s18  }
0x93: {  	s3 =	sld [smem:$0x3FFC];
	_ =	sdelay $0x3  }
0x94: {  	_ =	strace s3  }
0x95: {  	s3 =	sld [smem:$0x3FFD];
	_ =	sdelay $0x3  }
0x96: {  	_ =	strace s3  }
0x97: {  	_ =	strace $0x8FFFFFFF  }
0x98: {  	s19 =	sld [smem:$0x3FDB];
	_ =	sdelay $0x1  }
0x99: {  	s4 =	simm.s32 $_scs_section_size  }
0x9a: {  	s5 =	simm.s32 $_size__tile_overlayer_lowered;
	s6 =	simm.s32 $_tile_overlayer_lowered  }
0x9b: {  	s22 =	simm.s32 $0x1BFF;
	s21 =	sshll.u32 s6, $0x1;
	s3 =	sadd.s32 s4, s19  }
0x9c: {  	s7 =	simm.s32 $0x0;
	s20 =	sshll.u32 s5, $0x1;
	s5 =	sadd.s32 s21, s3  }
0x9d: {  	[timem:s7], [sflag:s22] =	dma.local [hbm:s5], s20  }
0x9e: {  	_ =	swait.ge [sflag:s22], s20  }
0x9f: {  	s4 =	ssub.s32 $0x0, s20;
	[sflag:s22] =	ssyncset.done $0x0  }
0xa0: {  	[sflag:s22] =	ssyncadd.s32 s4;
	_ =	sdelay $0x1  }
0xa1: {  	s23 =	simm.s32 $0x1B8B  }
0xa2: {  	_ =	swait.ge [sflag:s23], $0x1  }
0xa3: {  	[sflag:s23] =	ssyncset.done $0x0  }
0xa4: {  	s25 =	simm.s32 $0x1B8E;
	s24 =	sld [smem:$0x3FFE];
	[sflag:s23] =	ssyncadd.s32 $0xFFFFFFFF  }
0xa5: {  	s26 =	simm.s32 $execute0_lowered;
	[smem:$0x3FD2] =	sst s25  }
0xa6: {  	s5 =	sshll.u32 s26, $0x1;
	_ =	strace $0x80000046;
	[dreg:$0x1] =	wrdreg $0xFFFFFFFF  }
0xa7: {  	s28 =	simm.s32 $_size_execute0_lowered;
	s3 =	sadd.s32 s3, s5;
	[dreg:$0x0] =	wrdreg $0x0  }
0xa8: {  	s5 =	sshll.u32 s28, $0x1;
	[dreg:$0x2] =	wrdreg s3  }
0xa9: {  	[dreg:$0x3] =	wrdreg s5  }
0xaa: {  	[dreg:$0x4] =	wrdreg $0xC0  }
0xab: {  	_ =	task [dreg:s7], $0x5FFFF  }
0xac: {  	[dreg:$0x1] =	wrdreg $0xFFFFFFFF  }
0xad: {  	[dreg:$0x0] =	wrdreg $0x60  }
0xae: {  	[dreg:$0x2] =	wrdreg s24  }
0xaf: {  	[dreg:$0x3] =	wrdreg s2  }
0xb0: {  	[dreg:$0x4] =	wrdreg $0x9  }
0xb1: {  	_ =	task.clear_ibuf [dreg:s7], $0x5FFFF;
	_ =	strace $0x90000046  }
0xb2: {  	s29 =	simm.s32 $0x9;
	_ =	strace $0x80000048  }
0xb3: {  	_ =	swait.ge [sflag:s29], $0x1  }
0xb4: {  	[sflag:s29] =	ssyncadd.s32 $0xFFFFFFFF  }
0xb5: {  	_ =	strace $0x90000048  }
0xb6: {  	_ =	sfence  }
0xb7: {  	s30 =	sld [smem:$0x0];
	_ =	sdelay $0x2  }
0xb8: {  	s31 =	sshll.u32 s1, $0xD;
	s1 =	sshrl.u32 s1, $0x2  }
0xb9: {  	s3 =	sand.u32 $0x4000, s31;
	s1 =	sadd.s32 s1, s30  }
0xba: {  	s0 =	sor.u32 s3, s0;
	s1 =	sshll.u32 s1, $0x11  }
0xbb: {  	s0 =	sor.u32 s1, s0  }
0xbc: {  	s0 =	sadd.s32 $0x8F2B, s0  }
0xbd: {  	[sflag:s0] =	ssyncadd.remote.s32 $0x1  }
0xbe: {  	_ =	sfence.sel $0xFFFF  }
0xbf: {  	[dreg:$0x0] =	wrdreg $0xFFFFFFFF;
	(pc) =	sbr.abs _section_cstart, $3  }
0xc0: {  	[dreg:$0x1] =	wrdreg $0xFFFFFFFF  }
0xc1: {  	_ =	task.clear_ibuf [dreg:s7], $0x2FFFF;
	_ =	strace $0x9FFFFFFF  }
0xc2: {  	(tm) =	ssettm $0x7FFFFFFF  }
0xc3: {  	_ =	shalt  }
tec
execute0_lowered:
.L_overlay_start_1:
0x0: {  	(tag) =	ssettag $0x1  }
0x1: {  	s0 =	rddreg [dreg:$0x0]  }
0x2: {  	s1 =	rddreg [dreg:$0x1];
	s3 =	srdreg.scid  }
0x3: {  	s2 =	simm.s32 $0x0;
	s4 =	stileid.u32;
	s11 =	simm.s32 $0x68  }
0x4: {  	s12 =	simm.s32 $0x6400;
	s13 =	simm.s32 $0x60;
	s14 =	simm.s32 $0x6A80  }
0x5: {  	s16 =	simm.s32 $0x7080;
	s18 =	simm.s32 $0x7700;
	s20 =	simm.s32 $0x7D00  }
0x6: {  	s22 =	simm.s32 $0x8380;
	s23 =	simm.s32 $0x3200;
	s28 =	simm.s32 $0x6270  }
0x7: {  	s29 =	simm.s32 $0x62D8;
	s30 =	simm.s32 $0x6338;
	s31 =	simm.s32 $0x63A0  }
0x8: {  	s3 =	sand.u32 $0x1, s3;
	[smem:$0x7FF] =	sst s2;
	s4 =	sshll.u32 s4, $0x8  }
0x9: {  	s7 =	sadd.s32 $0x800, s0;
	s5 =	sshll.u32 s3, $0x7;
	_ =	strace $0x80000047  }
0xa: {  	s24 =	ssub.s32 $0x2, s3;
	s3 =	sadd.s32 $0x187200, s0;
	s6 =	sor.u32 s5, s4  }
0xb: {  	s9 =	sshrl.u32 s24, $0x1;
	s4 =	sadd.s32 $0x19800, s0;
	s8 =	smul.u32 $0xC8, s6  }
0xc: {  	s0 =	simm.s32 $0x8980;
	s10 =	smul.u32 $0x19, s6;
	s25 =	ssub.s32 s24, s9  }
0xd: {  	s26 =	sshll.u32 s6, $0x1;
	s24 =	simm.s32 $0x1;
	s8 =	sshrl.u32 s8, $0x3  }
0xe: {  	s5 =	sadd.s32 s7, s10;
	s10 =	simm.s32 $0x4;
	s7 =	sadd.s32 s7, s8  }
0xf: {  	s8 =	smax.u32 s25, $0x1;
	s25 =	simm.s32 $0x2;
	s6 =	sadd.s32 $0x640, s7  }
0x10: {  	s7 =	sadd.s32 s1, s26;
	s26 =	simm.s32 $0x3;
	s1 =	simm.s32 $0x0  }
.LBB2_1:
0x11: {  	s9 =	simm.s32 $0x9180  }
0x12: {  	[tilespmem:s9], [sflag:$0x4] =	stream.linear.gather [hbm4b:s4+s2], $0x10, $0x38;
	[tilespmem:$0x9190] =	vst v63  }
0x13: {  	_ =	swait.ge [sflag:s10], $0x10  }
0x14: {  	[sflag:s10] =	ssyncset.done $0x0  }
0x15: {  	[sflag:s10] =	ssyncadd.s32 $0xFFFFFFF0  }
0x16: {  	v0 =	vld [tilespmem:$0x9180];
	[tilespmem:s2], [sflag:$0x4] =	stream.linear.gather [hbm4b:s5+s2], $0x3200, $0x38  }
0x17: {  	_ =	swait.ge [sflag:s10], $0x3200  }
0x18: {  	[sflag:s10] =	ssyncset.done $0x0  }
0x19: {  	[sflag:s10] =	ssyncadd.s32 $0xFFFFCE00  }
0x1a: {  	[tilespmem:s12], [sflag:$0x1] =	stream.indirect.gather [hbm4b:s3+s11], $0x10, s2, s11, $0xb8;
	[tilespmem:$0x9190] =	vst v63  }
0x1b: {  	_ = 	snop  }
0x1c: {  	[tilespmem:s14], [sflag:$0x1] =	stream.indirect.gather [hbm4b:s3+s13], $0x10, s11, s13, $0xb8;
	[tilespmem:$0x9190] =	vst v63  }
0x1d: {  	s15 =	simm.s32 $0xC8  }
0x1e: {  	[tilespmem:s16], [sflag:$0x2] =	stream.indirect.gather [hbm4b:s3+s11], $0x10, s15, s11, $0xb8;
	[tilespmem:$0x9190] =	vst v63  }
0x1f: {  	s17 =	simm.s32 $0x130  }
0x20: {  	[tilespmem:s18], [sflag:$0x2] =	stream.indirect.gather [hbm4b:s3+s13], $0x10, s17, s13, $0xb8;
	[tilespmem:$0x9190] =	vst v63  }
0x21: {  	s19 =	simm.s32 $0x190  }
0x22: {  	[tilespmem:s20], [sflag:$0x3] =	stream.indirect.gather [hbm4b:s3+s11], $0x10, s19, s11, $0xb8;
	[tilespmem:$0x9190] =	vst v63  }
0x23: {  	s21 =	simm.s32 $0x1F8  }
0x24: {  	[tilespmem:s22], [sflag:$0x3] =	stream.indirect.gather [hbm4b:s3+s13], $0x10, s21, s13, $0xb8;
	[tilespmem:$0x9190] =	vst v63  }
0x25: {  	_ = 	snop  }
0x26: {  	[tilespmem:s23], [sflag:$0x4] =	stream.linear.gather [hbm4b:s6+s2], $0x3200, $0x38;
	[tilespmem:$0x9190] =	vst v63  }
0x27: {  	_ =	swait.ge [sflag:s10], $0x3200  }
0x28: {  	[sflag:s10] =	ssyncset.done $0x0  }
0x29: {  	s9 =	simm.s32 $0x0;
	[sflag:s10] =	ssyncadd.s32 $0xFFFFCE00  }
.LBB2_2:
0x2a: {  	_ =	swait.ge [sflag:s24], $0xC80  }
0x2b: {  	[sflag:s24] =	ssyncset.done $0x0  }
0x2c: {  	s17 =	simm.s32 $0x0;
	[sflag:s24] =	ssyncadd.s32 $0xFFFFF380  }
0x2d: {  	v2 =	vld [tilespmem:s17+$0x6430]  }
0x2e: {  	v3 =	vld [tilespmem:s17+$0x6400]  }
0x2f: {  	v1 =	vimm.f32 $0.0e+00;
	v4 =	vld [tilespmem:s17+$0x6410]  }
0x30: {  	s15 =	simm.s32 $0x100;
	v6 =	vimm.f32 $0.0e+00;
	v7 =	vimm.f32 $0.0e+00;
	v8 =	vimm.f32 $0.0e+00;
	v5 =	vld [tilespmem:s17+$0x6420]  }
.LBB2_3:
0x31: {  	p0 =	sne.s32 s15, $0x3100  }
.Ltmp0:
0x32: {  	s17 =	sshra.s32 s15, $0x2;
	s15 =	sadd.s32 $0x100, s15;
	v1 =	vadd.f32 v2, v1;
	(pc) =	sbr.rel @p0 .LBB2_3-.Ltmp0, $4  }
0x33: {  	v2 =	vld [tilespmem:s17+$0x6430];
	v6 =	vadd.f32 v3, v6  }
0x34: {  	v3 =	vld [tilespmem:s17+$0x6400];
	v7 =	vadd.f32 v4, v7  }
0x35: {  	v4 =	vld [tilespmem:s17+$0x6410];
	v8 =	vadd.f32 v5, v8  }
0x36: {  	v5 =	vld [tilespmem:s17+$0x6420]  }
0x37: {  	_ =	sdelay $0x2  }
0x38: {  	v1 =	vadd.f32 v2, v1;
	v2 =	vadd.f32 v3, v6  }
0x39: {  	v3 =	vadd.f32 v4, v7;
	v4 =	vadd.f32 v5, v8;
	_ =	sdelay $0x1  }
0x3a: {  	v2 =	vadd.f32 v3, v2;
	v1 =	vadd.f32 v1, v4;
	_ =	sdelay $0x1  }
0x3b: {  	v1 =	vadd.f32 v1, v2;
	_ =	sdelay $0x1  }
0x3c: {  	s15 =	smul.u32 $0xC0, s9;
	v1 =	vmul.f32 $4.999999890e-03, v1  }
0x3d: {  	s19 =	smul.u32 $0x960, s9  }
0x3e: {  	v1 =	vadd.f32 v1, v0  }
0x3f: {  	s17 =	sshra.s32 s15, $0x2;
	s15 =	sshra.s32 s19, $0x2  }
0x40: {  	s19 =	sadd.s32 $0x258, s15;
	[tilespmem:s17+$0x8980] =	vst v1  }
0x41: {  	[tilespmem:s12], [sflag:$0x1] =	stream.indirect.gather [hbm4b:s3+s11], $0x10, s19, s11, $0xb8;
	[tilespmem:$0x9190] =	vst v63  }
0x42: {  	s21 =	sadd.s32 $0x2C0, s15  }
0x43: {  	[tilespmem:s14], [sflag:$0x1] =	stream.indirect.gather [hbm4b:s3+s13], $0x10, s21, s13, $0xb8;
	[tilespmem:$0x9190] =	vst v63  }
0x44: {  	_ =	swait.ge [sflag:s25], $0xC80  }
0x45: {  	[sflag:s25] =	ssyncset.done $0x0  }
0x46: {  	s21 =	simm.s32 $0x0;
	[sflag:s25] =	ssyncadd.s32 $0xFFFFF380  }
0x47: {  	v2 =	vld [tilespmem:s21+$0x70B0]  }
0x48: {  	v3 =	vld [tilespmem:s21+$0x7080]  }
0x49: {  	v6 =	vimm.f32 $0.0e+00;
	v4 =	vld [tilespmem:s21+$0x7090]  }
0x4a: {  	v7 =	vimm.f32 $0.0e+00;
	v8 =	vimm.f32 $0.0e+00;
	v1 =	vimm.f32 $0.0e+00;
	s19 =	simm.s32 $0x100;
	v5 =	vld [tilespmem:s21+$0x70A0]  }
.LBB2_5:
0x4b: {  	p0 =	sne.s32 s19, $0x3100  }
.Ltmp1:
0x4c: {  	s21 =	sshra.s32 s19, $0x2;
	s19 =	sadd.s32 $0x100, s19;
	v1 =	vadd.f32 v2, v1;
	(pc) =	sbr.rel @p0 .LBB2_5-.Ltmp1, $4  }
0x4d: {  	v2 =	vld [tilespmem:s21+$0x70B0];
	v6 =	vadd.f32 v3, v6  }
0x4e: {  	v3 =	vld [tilespmem:s21+$0x7080];
	v7 =	vadd.f32 v4, v7  }
0x4f: {  	v4 =	vld [tilespmem:s21+$0x7090];
	v8 =	vadd.f32 v5, v8  }
0x50: {  	v5 =	vld [tilespmem:s21+$0x70A0]  }
0x51: {  	_ =	sdelay $0x2  }
0x52: {  	v1 =	vadd.f32 v2, v1;
	v2 =	vadd.f32 v3, v6  }
0x53: {  	v3 =	vadd.f32 v4, v7;
	v4 =	vadd.f32 v5, v8;
	_ =	sdelay $0x1  }
0x54: {  	v2 =	vadd.f32 v3, v2;
	v1 =	vadd.f32 v1, v4;
	_ =	sdelay $0x1  }
0x55: {  	v1 =	vadd.f32 v1, v2;
	_ =	sdelay $0x1  }
0x56: {  	v1 =	vmul.f32 $4.999999890e-03, v1;
	_ =	sdelay $0x1  }
0x57: {  	v1 =	vadd.f32 v1, v0;
	_ =	sdelay $0x1  }
0x58: {  	s19 =	sadd.s32 $0x320, s15;
	[tilespmem:s17+$0x8990] =	vst v1  }
0x59: {  	[tilespmem:s16], [sflag:$0x2] =	stream.indirect.gather [hbm4b:s3+s11], $0x10, s19, s11, $0xb8;
	[tilespmem:$0x9190] =	vst v63  }
0x5a: {  	s21 =	sadd.s32 $0x388, s15  }
0x5b: {  	[tilespmem:s18], [sflag:$0x2] =	stream.indirect.gather [hbm4b:s3+s13], $0x10, s21, s13, $0xb8;
	[tilespmem:$0x9190] =	vst v63  }
0x5c: {  	_ =	swait.ge [sflag:s26], $0xC80  }
0x5d: {  	[sflag:s26] =	ssyncset.done $0x0  }
0x5e: {  	s21 =	simm.s32 $0x0;
	[sflag:s26] =	ssyncadd.s32 $0xFFFFF380  }
0x5f: {  	v2 =	vld [tilespmem:s21+$0x7D30]  }
0x60: {  	v3 =	vld [tilespmem:s21+$0x7D00]  }
0x61: {  	v6 =	vimm.f32 $0.0e+00;
	v4 =	vld [tilespmem:s21+$0x7D10]  }
0x62: {  	v7 =	vimm.f32 $0.0e+00;
	v8 =	vimm.f32 $0.0e+00;
	v1 =	vimm.f32 $0.0e+00;
	s19 =	simm.s32 $0x100;
	v5 =	vld [tilespmem:s21+$0x7D20]  }
.LBB2_7:
0x63: {  	p0 =	sne.s32 s19, $0x3100  }
.Ltmp2:
0x64: {  	s21 =	sshra.s32 s19, $0x2;
	s19 =	sadd.s32 $0x100, s19;
	v1 =	vadd.f32 v2, v1;
	(pc) =	sbr.rel @p0 .LBB2_7-.Ltmp2, $4  }
0x65: {  	v2 =	vld [tilespmem:s21+$0x7D30];
	v6 =	vadd.f32 v3, v6  }
0x66: {  	v3 =	vld [tilespmem:s21+$0x7D00];
	v7 =	vadd.f32 v4, v7  }
0x67: {  	v4 =	vld [tilespmem:s21+$0x7D10];
	v8 =	vadd.f32 v5, v8  }
0x68: {  	v5 =	vld [tilespmem:s21+$0x7D20]  }
0x69: {  	_ =	sdelay $0x2  }
0x6a: {  	v1 =	vadd.f32 v2, v1;
	v2 =	vadd.f32 v3, v6  }
0x6b: {  	v3 =	vadd.f32 v4, v7;
	v63 =	vadd.f32 v5, v8;
	_ =	sdelay $0x1  }
0x6c: {  	v2 =	vadd.f32 v3, v2;
	v1 =	vadd.f32 v1, v63;
	_ =	sdelay $0x1  }
0x6d: {  	v1 =	vadd.f32 v1, v2;
	_ =	sdelay $0x1  }
0x6e: {  	v1 =	vmul.f32 $4.999999890e-03, v1  }
0x6f: {  	s9 =	sadd.s32 $0x1, s9  }
0x70: {  	p0 =	sne.s32 s9, $0x29;
	v1 =	vadd.f32 v1, v0  }
.Ltmp3:
0x71: {  	_ = 	snop;
	(pc) =	sbr.rel @p0 .LBB2_2-.Ltmp3, $4  }
0x72: {  	s19 =	sadd.s32 $0x3E8, s15;
	[tilespmem:s17+$0x89A0] =	vst v1  }
0x73: {  	[tilespmem:s20], [sflag:$0x3] =	stream.indirect.gather [hbm4b:s3+s11], $0x10, s19, s11, $0xb8;
	[tilespmem:$0x9190] =	vst v63  }
0x74: {  	s21 =	sadd.s32 $0x450, s15  }
0x75: {  	[tilespmem:s22], [sflag:$0x3] =	stream.indirect.gather [hbm4b:s3+s13], $0x10, s21, s13, $0xb8;
	[tilespmem:$0x9190] =	vst v63  }
0x76: {  	_ =	swait.ge [sflag:s24], $0xC80  }
0x77: {  	[sflag:s24] =	ssyncset.done $0x0  }
0x78: {  	s15 =	simm.s32 $0x0;
	[sflag:s24] =	ssyncadd.s32 $0xFFFFF380  }
0x79: {  	v2 =	vld [tilespmem:s15+$0x6430]  }
0x7a: {  	v3 =	vld [tilespmem:s15+$0x6400]  }
0x7b: {  	v1 =	vimm.f32 $0.0e+00;
	v4 =	vld [tilespmem:s15+$0x6410]  }
0x7c: {  	s9 =	simm.s32 $0x100;
	v6 =	vimm.f32 $0.0e+00;
	v7 =	vimm.f32 $0.0e+00;
	v8 =	vimm.f32 $0.0e+00;
	v5 =	vld [tilespmem:s15+$0x6420]  }
.LBB2_10:
0x7d: {  	p0 =	sne.s32 s9, $0x3100  }
.Ltmp4:
0x7e: {  	s15 =	sshra.s32 s9, $0x2;
	s9 =	sadd.s32 $0x100, s9;
	v1 =	vadd.f32 v2, v1;
	(pc) =	sbr.rel @p0 .LBB2_10-.Ltmp4, $4  }
0x7f: {  	v2 =	vld [tilespmem:s15+$0x6430];
	v6 =	vadd.f32 v3, v6  }
0x80: {  	v3 =	vld [tilespmem:s15+$0x6400];
	v7 =	vadd.f32 v4, v7  }
0x81: {  	v4 =	vld [tilespmem:s15+$0x6410];
	v8 =	vadd.f32 v5, v8  }
0x82: {  	v5 =	vld [tilespmem:s15+$0x6420]  }
0x83: {  	_ =	sdelay $0x2  }
0x84: {  	v1 =	vadd.f32 v2, v1;
	v2 =	vadd.f32 v3, v6  }
0x85: {  	v3 =	vadd.f32 v4, v7;
	v4 =	vadd.f32 v5, v8;
	_ =	sdelay $0x1  }
0x86: {  	v2 =	vadd.f32 v3, v2;
	v1 =	vadd.f32 v1, v4;
	_ =	sdelay $0x1  }
0x87: {  	v1 =	vadd.f32 v1, v2;
	_ =	sdelay $0x1  }
0x88: {  	v1 =	vmul.f32 $4.999999890e-03, v1;
	_ =	sdelay $0x1  }
0x89: {  	v1 =	vadd.f32 v1, v0;
	_ =	sdelay $0x1  }
0x8a: {  	[tilespmem:$0x9130] =	vst v1  }
0x8b: {  	[tilespmem:s12], [sflag:$0x1] =	stream.indirect.gather [hbm4b:s3+s11], $0x10, s28, s11, $0xb8;
	[tilespmem:$0x9190] =	vst v63  }
0x8c: {  	_ = 	snop  }
0x8d: {  	[tilespmem:s14], [sflag:$0x1] =	stream.indirect.gather [hbm4b:s3+s13], $0x10, s29, s13, $0xb8;
	[tilespmem:$0x9190] =	vst v63  }
0x8e: {  	_ =	swait.ge [sflag:s25], $0xC80  }
0x8f: {  	[sflag:s25] =	ssyncset.done $0x0  }
0x90: {  	s15 =	simm.s32 $0x0;
	[sflag:s25] =	ssyncadd.s32 $0xFFFFF380  }
0x91: {  	v2 =	vld [tilespmem:s15+$0x70B0]  }
0x92: {  	v3 =	vld [tilespmem:s15+$0x7080]  }
0x93: {  	v6 =	vimm.f32 $0.0e+00;
	v4 =	vld [tilespmem:s15+$0x7090]  }
0x94: {  	s9 =	simm.s32 $0x100;
	v7 =	vimm.f32 $0.0e+00;
	v8 =	vimm.f32 $0.0e+00;
	v1 =	vimm.f32 $0.0e+00;
	v5 =	vld [tilespmem:s15+$0x70A0]  }
.LBB2_12:
0x95: {  	p0 =	sne.s32 s9, $0x3100  }
.Ltmp5:
0x96: {  	s15 =	sshra.s32 s9, $0x2;
	s9 =	sadd.s32 $0x100, s9;
	v1 =	vadd.f32 v2, v1;
	(pc) =	sbr.rel @p0 .LBB2_12-.Ltmp5, $4  }
0x97: {  	v2 =	vld [tilespmem:s15+$0x70B0];
	v6 =	vadd.f32 v3, v6  }
0x98: {  	v3 =	vld [tilespmem:s15+$0x7080];
	v7 =	vadd.f32 v4, v7  }
0x99: {  	v4 =	vld [tilespmem:s15+$0x7090];
	v8 =	vadd.f32 v5, v8  }
0x9a: {  	v5 =	vld [tilespmem:s15+$0x70A0]  }
0x9b: {  	_ =	sdelay $0x2  }
0x9c: {  	v1 =	vadd.f32 v2, v1;
	v2 =	vadd.f32 v3, v6  }
0x9d: {  	v3 =	vadd.f32 v4, v7;
	v4 =	vadd.f32 v5, v8;
	_ =	sdelay $0x1  }
0x9e: {  	v2 =	vadd.f32 v3, v2;
	v1 =	vadd.f32 v1, v4;
	_ =	sdelay $0x1  }
0x9f: {  	v1 =	vadd.f32 v1, v2;
	_ =	sdelay $0x1  }
0xa0: {  	v1 =	vmul.f32 $4.999999890e-03, v1;
	_ =	sdelay $0x1  }
0xa1: {  	v1 =	vadd.f32 v1, v0;
	_ =	sdelay $0x1  }
0xa2: {  	[tilespmem:$0x9140] =	vst v1  }
0xa3: {  	[tilespmem:s16], [sflag:$0x2] =	stream.indirect.gather [hbm4b:s3+s11], $0x10, s30, s11, $0xb8;
	[tilespmem:$0x9190] =	vst v63  }
0xa4: {  	_ = 	snop  }
0xa5: {  	[tilespmem:s18], [sflag:$0x2] =	stream.indirect.gather [hbm4b:s3+s13], $0x10, s31, s13, $0xb8;
	[tilespmem:$0x9190] =	vst v63  }
0xa6: {  	_ =	swait.ge [sflag:s26], $0xC80  }
0xa7: {  	[sflag:s26] =	ssyncset.done $0x0  }
0xa8: {  	s15 =	simm.s32 $0x0;
	[sflag:s26] =	ssyncadd.s32 $0xFFFFF380  }
0xa9: {  	v2 =	vld [tilespmem:s15+$0x7D30]  }
0xaa: {  	v3 =	vld [tilespmem:s15+$0x7D00]  }
0xab: {  	v6 =	vimm.f32 $0.0e+00;
	v4 =	vld [tilespmem:s15+$0x7D10]  }
0xac: {  	s9 =	simm.s32 $0x100;
	v7 =	vimm.f32 $0.0e+00;
	v8 =	vimm.f32 $0.0e+00;
	v1 =	vimm.f32 $0.0e+00;
	v5 =	vld [tilespmem:s15+$0x7D20]  }
.LBB2_14:
0xad: {  	p0 =	sne.s32 s9, $0x3100  }
.Ltmp6:
0xae: {  	s15 =	sshra.s32 s9, $0x2;
	s9 =	sadd.s32 $0x100, s9;
	v1 =	vadd.f32 v2, v1;
	(pc) =	sbr.rel @p0 .LBB2_14-.Ltmp6, $4  }
0xaf: {  	v2 =	vld [tilespmem:s15+$0x7D30];
	v6 =	vadd.f32 v3, v6  }
0xb0: {  	v3 =	vld [tilespmem:s15+$0x7D00];
	v7 =	vadd.f32 v4, v7  }
0xb1: {  	v4 =	vld [tilespmem:s15+$0x7D10];
	v8 =	vadd.f32 v5, v8  }
0xb2: {  	v5 =	vld [tilespmem:s15+$0x7D20]  }
0xb3: {  	_ =	sdelay $0x2  }
0xb4: {  	v1 =	vadd.f32 v2, v1;
	v2 =	vadd.f32 v3, v6  }
0xb5: {  	v3 =	vadd.f32 v4, v7;
	v4 =	vadd.f32 v5, v8;
	_ =	sdelay $0x1  }
0xb6: {  	v2 =	vadd.f32 v3, v2;
	v1 =	vadd.f32 v1, v4;
	_ =	sdelay $0x1  }
0xb7: {  	v1 =	vadd.f32 v1, v2;
	_ =	sdelay $0x1  }
0xb8: {  	v1 =	vmul.f32 $4.999999890e-03, v1;
	_ =	sdelay $0x1  }
0xb9: {  	v1 =	vadd.f32 v1, v0;
	_ =	sdelay $0x1  }
0xba: {  	[tilespmem:$0x9150] =	vst v1  }
0xbb: {  	_ =	swait.ge [sflag:s24], $0xC80  }
0xbc: {  	[sflag:s24] =	ssyncset.done $0x0  }
0xbd: {  	s15 =	simm.s32 $0x0;
	[sflag:s24] =	ssyncadd.s32 $0xFFFFF380  }
0xbe: {  	v2 =	vld [tilespmem:s15+$0x6430]  }
0xbf: {  	v3 =	vld [tilespmem:s15+$0x6400]  }
0xc0: {  	v6 =	vimm.f32 $0.0e+00;
	v4 =	vld [tilespmem:s15+$0x6410]  }
0xc1: {  	s9 =	simm.s32 $0x100;
	v7 =	vimm.f32 $0.0e+00;
	v8 =	vimm.f32 $0.0e+00;
	v1 =	vimm.f32 $0.0e+00;
	v5 =	vld [tilespmem:s15+$0x6420]  }
.LBB2_16:
0xc2: {  	p0 =	sne.s32 s9, $0x3100  }
.Ltmp7:
0xc3: {  	s15 =	sshra.s32 s9, $0x2;
	s9 =	sadd.s32 $0x100, s9;
	v1 =	vadd.f32 v2, v1;
	(pc) =	sbr.rel @p0 .LBB2_16-.Ltmp7, $4  }
0xc4: {  	v2 =	vld [tilespmem:s15+$0x6430];
	v6 =	vadd.f32 v3, v6  }
0xc5: {  	v3 =	vld [tilespmem:s15+$0x6400];
	v7 =	vadd.f32 v4, v7  }
0xc6: {  	v4 =	vld [tilespmem:s15+$0x6410];
	v8 =	vadd.f32 v5, v8  }
0xc7: {  	v5 =	vld [tilespmem:s15+$0x6420]  }
0xc8: {  	_ =	sdelay $0x2  }
0xc9: {  	v1 =	vadd.f32 v2, v1;
	v2 =	vadd.f32 v3, v6  }
0xca: {  	v3 =	vadd.f32 v4, v7;
	v4 =	vadd.f32 v5, v8;
	_ =	sdelay $0x1  }
0xcb: {  	v2 =	vadd.f32 v3, v2;
	v1 =	vadd.f32 v1, v4;
	_ =	sdelay $0x1  }
0xcc: {  	v1 =	vadd.f32 v1, v2;
	_ =	sdelay $0x1  }
0xcd: {  	v1 =	vmul.f32 $4.999999890e-03, v1;
	_ =	sdelay $0x1  }
0xce: {  	v1 =	vadd.f32 v1, v0;
	_ =	sdelay $0x1  }
0xcf: {  	[tilespmem:$0x9160] =	vst v1  }
0xd0: {  	_ =	swait.ge [sflag:s25], $0xC80  }
0xd1: {  	[sflag:s25] =	ssyncset.done $0x0  }
0xd2: {  	s15 =	simm.s32 $0x0;
	[sflag:s25] =	ssyncadd.s32 $0xFFFFF380  }
0xd3: {  	v2 =	vld [tilespmem:s15+$0x70B0]  }
0xd4: {  	v3 =	vld [tilespmem:s15+$0x7080]  }
0xd5: {  	v6 =	vimm.f32 $0.0e+00;
	v4 =	vld [tilespmem:s15+$0x7090]  }
0xd6: {  	s9 =	simm.s32 $0x100;
	v7 =	vimm.f32 $0.0e+00;
	v8 =	vimm.f32 $0.0e+00;
	v1 =	vimm.f32 $0.0e+00;
	v5 =	vld [tilespmem:s15+$0x70A0]  }
.LBB2_18:
0xd7: {  	p0 =	sne.s32 s9, $0x3100  }
.Ltmp8:
0xd8: {  	s15 =	sshra.s32 s9, $0x2;
	s9 =	sadd.s32 $0x100, s9;
	v1 =	vadd.f32 v2, v1;
	(pc) =	sbr.rel @p0 .LBB2_18-.Ltmp8, $4  }
0xd9: {  	v2 =	vld [tilespmem:s15+$0x70B0];
	v6 =	vadd.f32 v3, v6  }
0xda: {  	v3 =	vld [tilespmem:s15+$0x7080];
	v7 =	vadd.f32 v4, v7  }
0xdb: {  	v4 =	vld [tilespmem:s15+$0x7090];
	v8 =	vadd.f32 v5, v8  }
0xdc: {  	v5 =	vld [tilespmem:s15+$0x70A0]  }
0xdd: {  	_ =	sdelay $0x2  }
0xde: {  	v1 =	vadd.f32 v2, v1;
	v61 =	vadd.f32 v3, v6  }
0xdf: {  	v62 =	vadd.f32 v4, v7;
	v63 =	vadd.f32 v5, v8;
	_ =	sdelay $0x1  }
0xe0: {  	v2 =	vadd.f32 v62, v61;
	v1 =	vadd.f32 v1, v63;
	_ =	sdelay $0x1  }
0xe1: {  	v1 =	vadd.f32 v1, v2;
	_ =	sdelay $0x1  }
0xe2: {  	v1 =	vmul.f32 $4.999999890e-03, v1;
	_ =	sdelay $0x1  }
0xe3: {  	s1 =	sadd.s32 $0x1, s1;
	v0 =	vadd.f32 v1, v0  }
0xe4: {  	p0 =	sne.s32 s1, s8  }
.Ltmp9:
0xe5: {  	[tilespmem:$0x9170] =	vst v0;
	(pc) =	sbr.rel @p0 .LBB2_1-.Ltmp9, $4  }
0xe6: {  	[hbm4b:s7+s2] =	stream.linear.scatter [tilespmem:s0], [sflag:$0x4], $0x800, $0x38;
	[tilespmem:$0x9190] =	vst v63  }
0xe7: {  	_ =	swait.ge [sflag:s10], $0x800  }
0xe8: {  	[sflag:s10] =	ssyncset.done $0x0  }
0xe9: {  	[sflag:s10] =	ssyncadd.s32 $0xFFFFF800  }
0xea: {  	_ =	sfence.sel $0x180000  }
0xeb: {  	[bflag:$0x0] =	sbarrier.arrive $0xFFFF  }
0xec: {  	_ =	strace $0x90000047  }
0xed: {  	s0 =	stileid.u32;
	[bflag:$0x2] =	sbarrier.arrive $0xFFFF  }
0xee: {  	p0 =	sne.s32 s0, $0x0;
	s0 =	rddreg [dreg:$0x2]  }
0xef: {  	s0 =	sadd.s32 @!p0 $0x100000, s0  }
0xf0: {  	[sflag:s0] =	ssyncadd.tile.s32 @!p0 $0x1;
	_ =	shalt  }
.Lfunc_end2:
_tile_overlayer_lowered:
.L_overlay_start_2:
0xf1: {  	(tag) =	ssettag $0x2  }
0xf2: {  	s0 =	rddreg [dreg:$0x0];
	s2 =	stileid.u32  }
0xf3: {  	s1 =	rddreg [dreg:$0x1];
	p0 =	sne.s32 s2, $0x0  }
0xf4: {  	s3 =	rddreg [dreg:$0x2];
	[bflag:$0x3] =	sbarrier.arrive $0xFFFF;
	s2 =	simm.s32 @!p0 $0x1C04  }
0xf5: {  	[timem:s3], [sflag:s2] =	dma.local @!p0 [hbm:s0], s1  }
0xf6: {  	s0 =	simm.s32 @!p0 $0x4  }
0xf7: {  	_ =	swait.ge @!p0 [sflag:s0], s1  }
0xf8: {  	s1 =	ssub.s32 @!p0 $0x0, s1;
	[sflag:s0] =	ssyncset.done @!p0 $0x0  }
0xf9: {  	[sflag:s0] =	ssyncadd.s32 @!p0 s1  }
0xfa: {  	[bflag:$0x3] =	sbarrier.arrive $0xFFFF  }
0xfb: {  	_ =	shalt  }

</sc_bundles>
